<compile_context>
chip_gen: v7x
topology: tpu7x:2x2x1
jax: 0.10.2.dev20260603
libtpu: 0.0.44.dev20260713+nightly
codegen_flags: <defaults>
</compile_context>

<pallas_src>
import functools

import jax
import jax.numpy as jnp
from jax import lax
from jax.experimental import pallas as pl
from jax.experimental.pallas import tpu as pltpu
from jax.experimental.pallas import tpu_sc as plsc

_B = 4
_SEQ = 4096
_D = 1024
_HEADS = 16

_NC = 2
_NS = 16
_NW = _NC * _NS
_N_IDS = _B * _SEQ
_PER_W = _N_IDS // _NW
_W_PER_B = _SEQ // _PER_W
_CHUNK = 16
_N_CHUNKS = _PER_W // _CHUNK
_NBUF = 6


def _gather_body(idx_hbm, table_hbm, out_hbm, idx_v, *scratch):
    wid = lax.axis_index("s") * _NC + lax.axis_index("c")
    row_b = wid // _W_PER_B
    col0 = (wid % _W_PER_B) * _PER_W
    pltpu.sync_copy(idx_hbm.at[row_b, pl.ds(col0, _PER_W)], idx_v)

    bufs = scratch[:_NBUF]
    gsems = scratch[_NBUF:2 * _NBUF]
    osems = scratch[2 * _NBUF:]

    def gather(i, b):
        pltpu.make_async_copy(table_hbm.at[idx_v.at[pl.ds(i * _CHUNK, _CHUNK)]],
                              bufs[b], gsems[b]).start()

    def gather_wait(i, b):
        pltpu.make_async_copy(table_hbm.at[idx_v.at[pl.ds(i * _CHUNK, _CHUNK)]],
                              bufs[b], gsems[b]).wait()

    def out_start(i, b):
        pltpu.make_async_copy(bufs[b],
                              out_hbm.at[row_b,
                                         pl.ds(col0 + i * _CHUNK, _CHUNK)],
                              osems[b]).start()

    def out_wait(i, b):
        pltpu.make_async_copy(bufs[b],
                              out_hbm.at[row_b,
                                         pl.ds(col0 + i * _CHUNK, _CHUNK)],
                              osems[b]).wait()

    for b in range(_NBUF):
        gather(b, b)

    def steady(j, _):
        for b in range(_NBUF):
            i = _NBUF * j + b
            gather_wait(i, b)
            out_start(i, b)
            out_wait(i, b)
            gather(i + _NBUF, b)
        return 0

    lax.fori_loop(0, _N_CHUNKS // _NBUF - 1, steady, 0)

    tail = _N_CHUNKS - _NBUF - (_N_CHUNKS % _NBUF)
    for i in range(tail, _N_CHUNKS - _NBUF):
        b = i % _NBUF
        gather_wait(i, b)
        out_start(i, b)
        out_wait(i, b)
        gather(i + _NBUF, b)
    for i in range(_N_CHUNKS - _NBUF, _N_CHUNKS):
        b = i % _NBUF
        gather_wait(i, b)
        out_start(i, b)
    for i in range(_N_CHUNKS - _NBUF, _N_CHUNKS):
        out_wait(i, i % _NBUF)


@jax.jit
def _sc_gather(ids, table):
    mesh = plsc.VectorSubcoreMesh(core_axis_name="c", subcore_axis_name="s")
    f = functools.partial(
        pl.kernel,
        mesh=mesh,
        out_type=jax.ShapeDtypeStruct((_B, _SEQ, _D), jnp.float32),
        scratch_types=(
            [pltpu.VMEM((_PER_W,), jnp.int32)]
            + [pltpu.VMEM((_CHUNK, _D), jnp.float32)] * _NBUF
            + [pltpu.SemaphoreType.DMA] * (2 * _NBUF)
        ),
    )(_gather_body)
    return f(ids, table)


def _mask_body(mask_ref, ext_ref, bias_ref):
    ext_ref[...] = (1.0 - mask_ref[...]) * -10000.0
    bias_ref[...] = jnp.zeros_like(bias_ref)


@jax.jit
def _tc_mask(mask):
    return pl.pallas_call(
        _mask_body,
        out_shape=[
            jax.ShapeDtypeStruct((_B, _SEQ), jnp.float32),
            jax.ShapeDtypeStruct((_B * _HEADS, _SEQ), jnp.float32),
        ],
    )(mask)


def kernel(encoder_input_ids, encoder_attention_mask, embedding_table):
    ids = encoder_input_ids.astype(jnp.int32)
    hidden = _sc_gather(ids, embedding_table)
    ext, bias = _tc_mask(encoder_attention_mask)
    ext = ext.reshape(_B, 1, 1, _SEQ)
    bias = bias.reshape(_B, _HEADS, _SEQ, 1)
    return (hidden, ext, bias)

# --- scband reference (transcript-rebuilt; emitter-appended) ---
"""Pipeline reference for scband-encoder-token-embeddings-12421045420194 (READ-ONLY COPY).

The authoritative reference and input builder live on the scoring server;
editing this copy changes nothing except your own understanding.
"""

import jax, jax.numpy as jnp
import numpy as np

VOCAB = 100000
D_MODEL = 1024
NUM_HEADS = 16
BATCH = 4
SEQ = 4096


def setup_inputs(seed: int = 0) -> dict:
    key = jax.random.key(seed)
    k_ids, k_tab = jax.random.split(key)
    encoder_input_ids = jax.random.randint(k_ids, (BATCH, SEQ), 0, VOCAB)
    encoder_attention_mask = jnp.ones((BATCH, SEQ), dtype=jnp.float32)
    embedding_table = jax.random.normal(k_tab, (VOCAB, D_MODEL), dtype=jnp.float32) * 0.02
    return {
        "encoder_input_ids": encoder_input_ids,
        "encoder_attention_mask": encoder_attention_mask,
        "embedding_table": embedding_table,
    }


def reference(encoder_input_ids, encoder_attention_mask, embedding_table):
    # Embedding lookup (dropout is identity in eval mode)
    encoder_hidden_states = jnp.take(embedding_table, encoder_input_ids, axis=0)
    # get_extended_attention_mask for 2D mask, non-decoder
    extended_encoder_attention_mask = encoder_attention_mask[:, None, None, :]
    extended_encoder_attention_mask = (1.0 - extended_encoder_attention_mask) * -10000.0
    # torch.empty -> uninitialized; use zeros for determinism (shape-faithful)
    encoder_position_bias = jnp.zeros((BATCH, NUM_HEADS, SEQ, 1), dtype=jnp.float32)
    return (encoder_hidden_states, extended_encoder_attention_mask, encoder_position_bias)

if __name__ == "__main__":
    import jax
    _d = setup_inputs()
    print(jax.jit(kernel)(*tuple(_d.values())))

</pallas_src>

<mosaic_0001>
#map = affine_map<(d0, d1) -> (0, 0)>
#map1 = affine_map<(d0, d1) -> (0, 0, 0)>
module attributes {stable_mosaic.version = 14 : i64} {
  func.func @_gather_body(%arg0: i32, %arg1: i32, %arg2: memref<4x4096xi32, #tpu.memory_space<hbm>>, %arg3: memref<100000x1024xf32, #tpu.memory_space<hbm>>, %arg4: memref<4x4096x1024xf32, #tpu.memory_space<hbm>>, %arg5: memref<512xi32, #tpu.memory_space<vmem>>, %arg6: memref<16x1024xf32, #tpu.memory_space<vmem>>, %arg7: memref<16x1024xf32, #tpu.memory_space<vmem>>, %arg8: memref<16x1024xf32, #tpu.memory_space<vmem>>, %arg9: memref<16x1024xf32, #tpu.memory_space<vmem>>, %arg10: memref<16x1024xf32, #tpu.memory_space<vmem>>, %arg11: memref<16x1024xf32, #tpu.memory_space<vmem>>, %arg12: memref<!tpu.dma_semaphore, #tpu.memory_space<semaphore_mem>>, %arg13: memref<!tpu.dma_semaphore, #tpu.memory_space<semaphore_mem>>, %arg14: memref<!tpu.dma_semaphore, #tpu.memory_space<semaphore_mem>>, %arg15: memref<!tpu.dma_semaphore, #tpu.memory_space<semaphore_mem>>, %arg16: memref<!tpu.dma_semaphore, #tpu.memory_space<semaphore_mem>>, %arg17: memref<!tpu.dma_semaphore, #tpu.memory_space<semaphore_mem>>, %arg18: memref<!tpu.dma_semaphore, #tpu.memory_space<semaphore_mem>>, %arg19: memref<!tpu.dma_semaphore, #tpu.memory_space<semaphore_mem>>, %arg20: memref<!tpu.dma_semaphore, #tpu.memory_space<semaphore_mem>>, %arg21: memref<!tpu.dma_semaphore, #tpu.memory_space<semaphore_mem>>, %arg22: memref<!tpu.dma_semaphore, #tpu.memory_space<semaphore_mem>>, %arg23: memref<!tpu.dma_semaphore, #tpu.memory_space<semaphore_mem>>) attributes {dimension_semantics = [#tpu.dimension_semantics<core_parallel>, #tpu.dimension_semantics<subcore_parallel>], iteration_bounds = array<i64: 2, 16>, scalar_prefetch = 0 : i64, scratch_operands = 19 : i64, tpu.core_type = #tpu.core_type<sc_vector_subcore>, window_params = [{transform_indices = #map}, {transform_indices = #map}, {transform_indices = #map1}]} {
    %mul3A = arith.constant 2 : i32
    %mul3A_0 = arith.muli %arg1, %mul3A : i32
    %add3A = arith.addi %mul3A_0, %arg0 : i32
    %jit3A = arith.constant 8 : i32
    %div3A = arith.divsi %add3A, %jit3A : i32
    %sign3A = arith.constant 0 : i32
    %sign3A_1 = arith.cmpi sgt, %add3A, %sign3A : i32
    %sign3A_2 = arith.extui %sign3A_1 : i1 to i32
    %sign3A_3 = arith.constant 0 : i32
    %sign3A_4 = arith.cmpi slt, %add3A, %sign3A_3 : i32
    %sign3A_5 = arith.extui %sign3A_4 : i1 to i32
    %sign3A_6 = arith.subi %sign3A_2, %sign3A_5 : i32
    %sign3A_7 = arith.constant 0 : i32
    %sign3A_8 = arith.cmpi sgt, %jit3A, %sign3A_7 : i32
    %sign3A_9 = arith.extui %sign3A_8 : i1 to i32
    %sign3A_10 = arith.constant 0 : i32
    %sign3A_11 = arith.cmpi slt, %jit3A, %sign3A_10 : i32
    %sign3A_12 = arith.extui %sign3A_11 : i1 to i32
    %sign3A_13 = arith.subi %sign3A_9, %sign3A_12 : i32
    %ne3A = arith.cmpi ne, %sign3A_6, %sign3A_13 : i32
    %rem3A = arith.remsi %add3A, %jit3A : i32
    %ne3A_14 = arith.constant 0 : i32
    %ne3A_15 = arith.cmpi ne, %rem3A, %ne3A_14 : i32
    %and3A = arith.andi %ne3A, %ne3A_15 : i1
    %sub3A = arith.constant 1 : i32
    %sub3A_16 = arith.subi %div3A, %sub3A : i32
    %select_n3A = arith.select %and3A, %sub3A_16, %div3A : i32
    %jit3A_17 = arith.constant 8 : i32
    %eq3A = arith.constant 0 : i32
    %eq3A_18 = arith.cmpi eq, %jit3A_17, %eq3A : i32
    %jit3A_19 = arith.constant 1 : i32
    %select_n3A_20 = arith.select %eq3A_18, %jit3A_19, %jit3A_17 : i32
    %rem3A_21 = arith.remsi %add3A, %select_n3A_20 : i32
    %ne3A_22 = arith.constant 0 : i32
    %ne3A_23 = arith.cmpi ne, %rem3A_21, %ne3A_22 : i32
    %lt3A = arith.constant 0 : i32
    %lt3A_24 = arith.cmpi slt, %rem3A_21, %lt3A : i32
    %lt3A_25 = arith.constant 0 : i32
    %lt3A_26 = arith.cmpi slt, %select_n3A_20, %lt3A_25 : i32
    %ne3A_27 = arith.xori %lt3A_24, %lt3A_26 : i1
    %and3A_28 = arith.andi %ne3A_27, %ne3A_23 : i1
    %add3A_29 = arith.addi %rem3A_21, %select_n3A_20 : i32
    %select_n3A_30 = arith.select %and3A_28, %add3A_29, %rem3A_21 : i32
    %mul3A_31 = arith.constant 512 : i32
    %mul3A_32 = arith.muli %select_n3A_30, %mul3A_31 : i32
    "tpu.region"() ({
      %run_scoped3A = tpu.sem_alloc : memref<!tpu.dma_semaphore, #tpu.memory_space<semaphore_mem>>
      %dma_start3A_245 = tpu.memref_slice %arg2[%select_n3A, %mul3A_32] : memref<4x4096xi32, #tpu.memory_space<hbm>> -> memref<1x512xi32, #tpu.memory_space<hbm>>
      %dma_start3A_246 = tpu.memref_squeeze %dma_start3A_245 : memref<1x512xi32, #tpu.memory_space<hbm>> -> memref<512xi32, #tpu.memory_space<hbm>>
      %dma_start3A_247 = tpu.memref_slice %arg2[%select_n3A, %mul3A_32] : memref<4x4096xi32, #tpu.memory_space<hbm>> -> memref<1x512xi32, #tpu.memory_space<hbm>>
      %dma_start3A_248 = tpu.memref_squeeze %dma_start3A_247 : memref<1x512xi32, #tpu.memory_space<hbm>> -> memref<512xi32, #tpu.memory_space<hbm>>
      tpu.enqueue_dma source(%dma_start3A_248 : memref<512xi32, #tpu.memory_space<hbm>>) target(%arg5 : memref<512xi32, #tpu.memory_space<vmem>>) target_semaphore(%run_scoped3A : memref<!tpu.dma_semaphore, #tpu.memory_space<semaphore_mem>>)
      %dma_wait3A_249 = tpu.memref_slice %arg2[%select_n3A, %mul3A_32] : memref<4x4096xi32, #tpu.memory_space<hbm>> -> memref<1x512xi32, #tpu.memory_space<hbm>>
      %dma_wait3A_250 = tpu.memref_squeeze %dma_wait3A_249 : memref<1x512xi32, #tpu.memory_space<hbm>> -> memref<512xi32, #tpu.memory_space<hbm>>
      %dma_wait3A_251 = tpu.memref_slice %arg2[%select_n3A, %mul3A_32] : memref<4x4096xi32, #tpu.memory_space<hbm>> -> memref<1x512xi32, #tpu.memory_space<hbm>>
      %dma_wait3A_252 = tpu.memref_squeeze %dma_wait3A_251 : memref<1x512xi32, #tpu.memory_space<hbm>> -> memref<512xi32, #tpu.memory_space<hbm>>
      tpu.wait_dma2 semaphore(%run_scoped3A : memref<!tpu.dma_semaphore, #tpu.memory_space<semaphore_mem>>) src(%dma_wait3A_252 : memref<512xi32, #tpu.memory_space<hbm>>) dst(%arg5 : memref<512xi32, #tpu.memory_space<vmem>>)
      tpu.yield
    }) : () -> ()
    %dma_start3A = arith.constant 0 : i32
    %dma_start3A_33 = tpu.memref_slice %arg5[%dma_start3A] : memref<512xi32, #tpu.memory_space<vmem>> -> memref<16xi32, #tpu.memory_space<vmem>>
    %dma_start3A_34 = arith.constant 0 : i32
    %dma_start3A_35 = arith.constant 0 : i32
    %dma_start3A_36 = tpu.memref_slice %arg3[%dma_start3A_34, %dma_start3A_35] : memref<100000x1024xf32, #tpu.memory_space<hbm>> -> memref<100000x1024xf32, #tpu.memory_space<hbm>>
    tpu.enqueue_indirect_dma source(%dma_start3A_36 : memref<100000x1024xf32, #tpu.memory_space<hbm>>) target(%arg6 : memref<16x1024xf32, #tpu.memory_space<vmem>>) offsets(%dma_start3A_33 : memref<16xi32, #tpu.memory_space<vmem>>) semaphore(%arg12 : memref<!tpu.dma_semaphore, #tpu.memory_space<semaphore_mem>>)
    %dma_start3A_37 = arith.constant 16 : i32
    %dma_start3A_38 = tpu.memref_slice %arg5[%dma_start3A_37] : memref<512xi32, #tpu.memory_space<vmem>> -> memref<16xi32, #tpu.memory_space<vmem>>
    %dma_start3A_39 = arith.constant 0 : i32
    %dma_start3A_40 = arith.constant 0 : i32
    %dma_start3A_41 = tpu.memref_slice %arg3[%dma_start3A_39, %dma_start3A_40] : memref<100000x1024xf32, #tpu.memory_space<hbm>> -> memref<100000x1024xf32, #tpu.memory_space<hbm>>
    tpu.enqueue_indirect_dma source(%dma_start3A_41 : memref<100000x1024xf32, #tpu.memory_space<hbm>>) target(%arg7 : memref<16x1024xf32, #tpu.memory_space<vmem>>) offsets(%dma_start3A_38 : memref<16xi32, #tpu.memory_space<vmem>>) semaphore(%arg13 : memref<!tpu.dma_semaphore, #tpu.memory_space<semaphore_mem>>)
    %dma_start3A_42 = arith.constant 32 : i32
    %dma_start3A_43 = tpu.memref_slice %arg5[%dma_start3A_42] : memref<512xi32, #tpu.memory_space<vmem>> -> memref<16xi32, #tpu.memory_space<vmem>>
    %dma_start3A_44 = arith.constant 0 : i32
    %dma_start3A_45 = arith.constant 0 : i32
    %dma_start3A_46 = tpu.memref_slice %arg3[%dma_start3A_44, %dma_start3A_45] : memref<100000x1024xf32, #tpu.memory_space<hbm>> -> memref<100000x1024xf32, #tpu.memory_space<hbm>>
    tpu.enqueue_indirect_dma source(%dma_start3A_46 : memref<100000x1024xf32, #tpu.memory_space<hbm>>) target(%arg8 : memref<16x1024xf32, #tpu.memory_space<vmem>>) offsets(%dma_start3A_43 : memref<16xi32, #tpu.memory_space<vmem>>) semaphore(%arg14 : memref<!tpu.dma_semaphore, #tpu.memory_space<semaphore_mem>>)
    %dma_start3A_47 = arith.constant 48 : i32
    %dma_start3A_48 = tpu.memref_slice %arg5[%dma_start3A_47] : memref<512xi32, #tpu.memory_space<vmem>> -> memref<16xi32, #tpu.memory_space<vmem>>
    %dma_start3A_49 = arith.constant 0 : i32
    %dma_start3A_50 = arith.constant 0 : i32
    %dma_start3A_51 = tpu.memref_slice %arg3[%dma_start3A_49, %dma_start3A_50] : memref<100000x1024xf32, #tpu.memory_space<hbm>> -> memref<100000x1024xf32, #tpu.memory_space<hbm>>
    tpu.enqueue_indirect_dma source(%dma_start3A_51 : memref<100000x1024xf32, #tpu.memory_space<hbm>>) target(%arg9 : memref<16x1024xf32, #tpu.memory_space<vmem>>) offsets(%dma_start3A_48 : memref<16xi32, #tpu.memory_space<vmem>>) semaphore(%arg15 : memref<!tpu.dma_semaphore, #tpu.memory_space<semaphore_mem>>)
    %dma_start3A_52 = arith.constant 64 : i32
    %dma_start3A_53 = tpu.memref_slice %arg5[%dma_start3A_52] : memref<512xi32, #tpu.memory_space<vmem>> -> memref<16xi32, #tpu.memory_space<vmem>>
    %dma_start3A_54 = arith.constant 0 : i32
    %dma_start3A_55 = arith.constant 0 : i32
    %dma_start3A_56 = tpu.memref_slice %arg3[%dma_start3A_54, %dma_start3A_55] : memref<100000x1024xf32, #tpu.memory_space<hbm>> -> memref<100000x1024xf32, #tpu.memory_space<hbm>>
    tpu.enqueue_indirect_dma source(%dma_start3A_56 : memref<100000x1024xf32, #tpu.memory_space<hbm>>) target(%arg10 : memref<16x1024xf32, #tpu.memory_space<vmem>>) offsets(%dma_start3A_53 : memref<16xi32, #tpu.memory_space<vmem>>) semaphore(%arg16 : memref<!tpu.dma_semaphore, #tpu.memory_space<semaphore_mem>>)
    %dma_start3A_57 = arith.constant 80 : i32
    %dma_start3A_58 = tpu.memref_slice %arg5[%dma_start3A_57] : memref<512xi32, #tpu.memory_space<vmem>> -> memref<16xi32, #tpu.memory_space<vmem>>
    %dma_start3A_59 = arith.constant 0 : i32
    %dma_start3A_60 = arith.constant 0 : i32
    %dma_start3A_61 = tpu.memref_slice %arg3[%dma_start3A_59, %dma_start3A_60] : memref<100000x1024xf32, #tpu.memory_space<hbm>> -> memref<100000x1024xf32, #tpu.memory_space<hbm>>
    tpu.enqueue_indirect_dma source(%dma_start3A_61 : memref<100000x1024xf32, #tpu.memory_space<hbm>>) target(%arg11 : memref<16x1024xf32, #tpu.memory_space<vmem>>) offsets(%dma_start3A_58 : memref<16xi32, #tpu.memory_space<vmem>>) semaphore(%arg17 : memref<!tpu.dma_semaphore, #tpu.memory_space<semaphore_mem>>)
    %scan3A = arith.constant 0 : i32
    %scan3A_62 = arith.constant 0 : i32
    %scan3A_63 = arith.constant 4 : i32
    %scan3A_64 = arith.addi %scan3A_62, %scan3A_63 : i32
    %scan3A_65 = arith.constant 1 : i32
    %scan3A_66 = scf.for %scan3A_245 = %scan3A_62 to %scan3A_64 step %scan3A_65 iter_args(%scan3A_246 = %scan3A) -> (i32)  : i32 {
      %mul3A_247 = arith.constant 6 : i32
      %mul3A_248 = arith.muli %mul3A_247, %scan3A_245 : i32
      %add3A_249 = arith.constant 0 : i32
      %add3A_250 = arith.addi %mul3A_248, %add3A_249 : i32
      %mul3A_251 = arith.constant 16 : i32
      %mul3A_252 = arith.muli %add3A_250, %mul3A_251 : i32
      %dma_wait3A_253 = tpu.memref_slice %arg5[%mul3A_252] : memref<512xi32, #tpu.memory_space<vmem>> -> memref<16xi32, #tpu.memory_space<vmem>>
      %dma_wait3A_254 = arith.constant 0 : i32
      %dma_wait3A_255 = arith.constant 0 : i32
      %dma_wait3A_256 = tpu.memref_slice %arg3[%dma_wait3A_254, %dma_wait3A_255] : memref<100000x1024xf32, #tpu.memory_space<hbm>> -> memref<100000x1024xf32, #tpu.memory_space<hbm>>
      tpu.wait_indirect_dma semaphore(%arg12 : memref<!tpu.dma_semaphore, #tpu.memory_space<semaphore_mem>>) src(%dma_wait3A_256 : memref<100000x1024xf32, #tpu.memory_space<hbm>>) dst(%arg6 : memref<16x1024xf32, #tpu.memory_space<vmem>>)
      %mul3A_257 = arith.constant 16 : i32
      %mul3A_258 = arith.muli %add3A_250, %mul3A_257 : i32
      %add3A_259 = arith.addi %mul3A_32, %mul3A_258 : i32
      %dma_start3A_260 = arith.constant 0 : i32
      %dma_start3A_261 = tpu.memref_slice %arg4[%select_n3A, %add3A_259, %dma_start3A_260] : memref<4x4096x1024xf32, #tpu.memory_space<hbm>> -> memref<1x16x1024xf32, #tpu.memory_space<hbm>>
      %dma_start3A_262 = tpu.memref_squeeze %dma_start3A_261 : memref<1x16x1024xf32, #tpu.memory_space<hbm>> -> memref<16x1024xf32, #tpu.memory_space<hbm>>
      %dma_start3A_263 = arith.constant 0 : i32
      %dma_start3A_264 = tpu.memref_slice %arg4[%select_n3A, %add3A_259, %dma_start3A_263] : memref<4x4096x1024xf32, #tpu.memory_space<hbm>> -> memref<1x16x1024xf32, #tpu.memory_space<hbm>>
      %dma_start3A_265 = tpu.memref_squeeze %dma_start3A_264 : memref<1x16x1024xf32, #tpu.memory_space<hbm>> -> memref<16x1024xf32, #tpu.memory_space<hbm>>
      tpu.enqueue_dma source(%arg6 : memref<16x1024xf32, #tpu.memory_space<vmem>>) target(%dma_start3A_265 : memref<16x1024xf32, #tpu.memory_space<hbm>>) target_semaphore(%arg18 : memref<!tpu.dma_semaphore, #tpu.memory_space<semaphore_mem>>)
      %mul3A_266 = arith.constant 16 : i32
      %mul3A_267 = arith.muli %add3A_250, %mul3A_266 : i32
      %add3A_268 = arith.addi %mul3A_32, %mul3A_267 : i32
      %dma_wait3A_269 = arith.constant 0 : i32
      %dma_wait3A_270 = tpu.memref_slice %arg4[%select_n3A, %add3A_268, %dma_wait3A_269] : memref<4x4096x1024xf32, #tpu.memory_space<hbm>> -> memref<1x16x1024xf32, #tpu.memory_space<hbm>>
      %dma_wait3A_271 = tpu.memref_squeeze %dma_wait3A_270 : memref<1x16x1024xf32, #tpu.memory_space<hbm>> -> memref<16x1024xf32, #tpu.memory_space<hbm>>
      %dma_wait3A_272 = arith.constant 0 : i32
      %dma_wait3A_273 = tpu.memref_slice %arg4[%select_n3A, %add3A_268, %dma_wait3A_272] : memref<4x4096x1024xf32, #tpu.memory_space<hbm>> -> memref<1x16x1024xf32, #tpu.memory_space<hbm>>
      %dma_wait3A_274 = tpu.memref_squeeze %dma_wait3A_273 : memref<1x16x1024xf32, #tpu.memory_space<hbm>> -> memref<16x1024xf32, #tpu.memory_space<hbm>>
      tpu.wait_dma2 semaphore(%arg18 : memref<!tpu.dma_semaphore, #tpu.memory_space<semaphore_mem>>) src(%arg6 : memref<16x1024xf32, #tpu.memory_space<vmem>>) dst(%dma_wait3A_274 : memref<16x1024xf32, #tpu.memory_space<hbm>>)
      %add3A_275 = arith.constant 6 : i32
      %add3A_276 = arith.addi %add3A_250, %add3A_275 : i32
      %mul3A_277 = arith.constant 16 : i32
      %mul3A_278 = arith.muli %add3A_276, %mul3A_277 : i32
      %dma_start3A_279 = tpu.memref_slice %arg5[%mul3A_278] : memref<512xi32, #tpu.memory_space<vmem>> -> memref<16xi32, #tpu.memory_space<vmem>>
      %dma_start3A_280 = arith.constant 0 : i32
      %dma_start3A_281 = arith.constant 0 : i32
      %dma_start3A_282 = tpu.memref_slice %arg3[%dma_start3A_280, %dma_start3A_281] : memref<100000x1024xf32, #tpu.memory_space<hbm>> -> memref<100000x1024xf32, #tpu.memory_space<hbm>>
      tpu.enqueue_indirect_dma source(%dma_start3A_282 : memref<100000x1024xf32, #tpu.memory_space<hbm>>) target(%arg6 : memref<16x1024xf32, #tpu.memory_space<vmem>>) offsets(%dma_start3A_279 : memref<16xi32, #tpu.memory_space<vmem>>) semaphore(%arg12 : memref<!tpu.dma_semaphore, #tpu.memory_space<semaphore_mem>>)
      %mul3A_283 = arith.constant 6 : i32
      %mul3A_284 = arith.muli %mul3A_283, %scan3A_245 : i32
      %add3A_285 = arith.constant 1 : i32
      %add3A_286 = arith.addi %mul3A_284, %add3A_285 : i32
      %mul3A_287 = arith.constant 16 : i32
      %mul3A_288 = arith.muli %add3A_286, %mul3A_287 : i32
      %dma_wait3A_289 = tpu.memref_slice %arg5[%mul3A_288] : memref<512xi32, #tpu.memory_space<vmem>> -> memref<16xi32, #tpu.memory_space<vmem>>
      %dma_wait3A_290 = arith.constant 0 : i32
      %dma_wait3A_291 = arith.constant 0 : i32
      %dma_wait3A_292 = tpu.memref_slice %arg3[%dma_wait3A_290, %dma_wait3A_291] : memref<100000x1024xf32, #tpu.memory_space<hbm>> -> memref<100000x1024xf32, #tpu.memory_space<hbm>>
      tpu.wait_indirect_dma semaphore(%arg13 : memref<!tpu.dma_semaphore, #tpu.memory_space<semaphore_mem>>) src(%dma_wait3A_292 : memref<100000x1024xf32, #tpu.memory_space<hbm>>) dst(%arg7 : memref<16x1024xf32, #tpu.memory_space<vmem>>)
      %mul3A_293 = arith.constant 16 : i32
      %mul3A_294 = arith.muli %add3A_286, %mul3A_293 : i32
      %add3A_295 = arith.addi %mul3A_32, %mul3A_294 : i32
      %dma_start3A_296 = arith.constant 0 : i32
      %dma_start3A_297 = tpu.memref_slice %arg4[%select_n3A, %add3A_295, %dma_start3A_296] : memref<4x4096x1024xf32, #tpu.memory_space<hbm>> -> memref<1x16x1024xf32, #tpu.memory_space<hbm>>
      %dma_start3A_298 = tpu.memref_squeeze %dma_start3A_297 : memref<1x16x1024xf32, #tpu.memory_space<hbm>> -> memref<16x1024xf32, #tpu.memory_space<hbm>>
      %dma_start3A_299 = arith.constant 0 : i32
      %dma_start3A_300 = tpu.memref_slice %arg4[%select_n3A, %add3A_295, %dma_start3A_299] : memref<4x4096x1024xf32, #tpu.memory_space<hbm>> -> memref<1x16x1024xf32, #tpu.memory_space<hbm>>
      %dma_start3A_301 = tpu.memref_squeeze %dma_start3A_300 : memref<1x16x1024xf32, #tpu.memory_space<hbm>> -> memref<16x1024xf32, #tpu.memory_space<hbm>>
      tpu.enqueue_dma source(%arg7 : memref<16x1024xf32, #tpu.memory_space<vmem>>) target(%dma_start3A_301 : memref<16x1024xf32, #tpu.memory_space<hbm>>) target_semaphore(%arg19 : memref<!tpu.dma_semaphore, #tpu.memory_space<semaphore_mem>>)
      %mul3A_302 = arith.constant 16 : i32
      %mul3A_303 = arith.muli %add3A_286, %mul3A_302 : i32
      %add3A_304 = arith.addi %mul3A_32, %mul3A_303 : i32
      %dma_wait3A_305 = arith.constant 0 : i32
      %dma_wait3A_306 = tpu.memref_slice %arg4[%select_n3A, %add3A_304, %dma_wait3A_305] : memref<4x4096x1024xf32, #tpu.memory_space<hbm>> -> memref<1x16x1024xf32, #tpu.memory_space<hbm>>
      %dma_wait3A_307 = tpu.memref_squeeze %dma_wait3A_306 : memref<1x16x1024xf32, #tpu.memory_space<hbm>> -> memref<16x1024xf32, #tpu.memory_space<hbm>>
      %dma_wait3A_308 = arith.constant 0 : i32
      %dma_wait3A_309 = tpu.memref_slice %arg4[%select_n3A, %add3A_304, %dma_wait3A_308] : memref<4x4096x1024xf32, #tpu.memory_space<hbm>> -> memref<1x16x1024xf32, #tpu.memory_space<hbm>>
      %dma_wait3A_310 = tpu.memref_squeeze %dma_wait3A_309 : memref<1x16x1024xf32, #tpu.memory_space<hbm>> -> memref<16x1024xf32, #tpu.memory_space<hbm>>
      tpu.wait_dma2 semaphore(%arg19 : memref<!tpu.dma_semaphore, #tpu.memory_space<semaphore_mem>>) src(%arg7 : memref<16x1024xf32, #tpu.memory_space<vmem>>) dst(%dma_wait3A_310 : memref<16x1024xf32, #tpu.memory_space<hbm>>)
      %add3A_311 = arith.constant 6 : i32
      %add3A_312 = arith.addi %add3A_286, %add3A_311 : i32
      %mul3A_313 = arith.constant 16 : i32
      %mul3A_314 = arith.muli %add3A_312, %mul3A_313 : i32
      %dma_start3A_315 = tpu.memref_slice %arg5[%mul3A_314] : memref<512xi32, #tpu.memory_space<vmem>> -> memref<16xi32, #tpu.memory_space<vmem>>
      %dma_start3A_316 = arith.constant 0 : i32
      %dma_start3A_317 = arith.constant 0 : i32
      %dma_start3A_318 = tpu.memref_slice %arg3[%dma_start3A_316, %dma_start3A_317] : memref<100000x1024xf32, #tpu.memory_space<hbm>> -> memref<100000x1024xf32, #tpu.memory_space<hbm>>
      tpu.enqueue_indirect_dma source(%dma_start3A_318 : memref<100000x1024xf32, #tpu.memory_space<hbm>>) target(%arg7 : memref<16x1024xf32, #tpu.memory_space<vmem>>) offsets(%dma_start3A_315 : memref<16xi32, #tpu.memory_space<vmem>>) semaphore(%arg13 : memref<!tpu.dma_semaphore, #tpu.memory_space<semaphore_mem>>)
      %mul3A_319 = arith.constant 6 : i32
      %mul3A_320 = arith.muli %mul3A_319, %scan3A_245 : i32
      %add3A_321 = arith.constant 2 : i32
      %add3A_322 = arith.addi %mul3A_320, %add3A_321 : i32
      %mul3A_323 = arith.constant 16 : i32
      %mul3A_324 = arith.muli %add3A_322, %mul3A_323 : i32
      %dma_wait3A_325 = tpu.memref_slice %arg5[%mul3A_324] : memref<512xi32, #tpu.memory_space<vmem>> -> memref<16xi32, #tpu.memory_space<vmem>>
      %dma_wait3A_326 = arith.constant 0 : i32
      %dma_wait3A_327 = arith.constant 0 : i32
      %dma_wait3A_328 = tpu.memref_slice %arg3[%dma_wait3A_326, %dma_wait3A_327] : memref<100000x1024xf32, #tpu.memory_space<hbm>> -> memref<100000x1024xf32, #tpu.memory_space<hbm>>
      tpu.wait_indirect_dma semaphore(%arg14 : memref<!tpu.dma_semaphore, #tpu.memory_space<semaphore_mem>>) src(%dma_wait3A_328 : memref<100000x1024xf32, #tpu.memory_space<hbm>>) dst(%arg8 : memref<16x1024xf32, #tpu.memory_space<vmem>>)
      %mul3A_329 = arith.constant 16 : i32
      %mul3A_330 = arith.muli %add3A_322, %mul3A_329 : i32
      %add3A_331 = arith.addi %mul3A_32, %mul3A_330 : i32
      %dma_start3A_332 = arith.constant 0 : i32
      %dma_start3A_333 = tpu.memref_slice %arg4[%select_n3A, %add3A_331, %dma_start3A_332] : memref<4x4096x1024xf32, #tpu.memory_space<hbm>> -> memref<1x16x1024xf32, #tpu.memory_space<hbm>>
      %dma_start3A_334 = tpu.memref_squeeze %dma_start3A_333 : memref<1x16x1024xf32, #tpu.memory_space<hbm>> -> memref<16x1024xf32, #tpu.memory_space<hbm>>
      %dma_start3A_335 = arith.constant 0 : i32
      %dma_start3A_336 = tpu.memref_slice %arg4[%select_n3A, %add3A_331, %dma_start3A_335] : memref<4x4096x1024xf32, #tpu.memory_space<hbm>> -> memref<1x16x1024xf32, #tpu.memory_space<hbm>>
      %dma_start3A_337 = tpu.memref_squeeze %dma_start3A_336 : memref<1x16x1024xf32, #tpu.memory_space<hbm>> -> memref<16x1024xf32, #tpu.memory_space<hbm>>
      tpu.enqueue_dma source(%arg8 : memref<16x1024xf32, #tpu.memory_space<vmem>>) target(%dma_start3A_337 : memref<16x1024xf32, #tpu.memory_space<hbm>>) target_semaphore(%arg20 : memref<!tpu.dma_semaphore, #tpu.memory_space<semaphore_mem>>)
      %mul3A_338 = arith.constant 16 : i32
      %mul3A_339 = arith.muli %add3A_322, %mul3A_338 : i32
      %add3A_340 = arith.addi %mul3A_32, %mul3A_339 : i32
      %dma_wait3A_341 = arith.constant 0 : i32
      %dma_wait3A_342 = tpu.memref_slice %arg4[%select_n3A, %add3A_340, %dma_wait3A_341] : memref<4x4096x1024xf32, #tpu.memory_space<hbm>> -> memref<1x16x1024xf32, #tpu.memory_space<hbm>>
      %dma_wait3A_343 = tpu.memref_squeeze %dma_wait3A_342 : memref<1x16x1024xf32, #tpu.memory_space<hbm>> -> memref<16x1024xf32, #tpu.memory_space<hbm>>
      %dma_wait3A_344 = arith.constant 0 : i32
      %dma_wait3A_345 = tpu.memref_slice %arg4[%select_n3A, %add3A_340, %dma_wait3A_344] : memref<4x4096x1024xf32, #tpu.memory_space<hbm>> -> memref<1x16x1024xf32, #tpu.memory_space<hbm>>
      %dma_wait3A_346 = tpu.memref_squeeze %dma_wait3A_345 : memref<1x16x1024xf32, #tpu.memory_space<hbm>> -> memref<16x1024xf32, #tpu.memory_space<hbm>>
      tpu.wait_dma2 semaphore(%arg20 : memref<!tpu.dma_semaphore, #tpu.memory_space<semaphore_mem>>) src(%arg8 : memref<16x1024xf32, #tpu.memory_space<vmem>>) dst(%dma_wait3A_346 : memref<16x1024xf32, #tpu.memory_space<hbm>>)
      %add3A_347 = arith.constant 6 : i32
      %add3A_348 = arith.addi %add3A_322, %add3A_347 : i32
      %mul3A_349 = arith.constant 16 : i32
      %mul3A_350 = arith.muli %add3A_348, %mul3A_349 : i32
      %dma_start3A_351 = tpu.memref_slice %arg5[%mul3A_350] : memref<512xi32, #tpu.memory_space<vmem>> -> memref<16xi32, #tpu.memory_space<vmem>>
      %dma_start3A_352 = arith.constant 0 : i32
      %dma_start3A_353 = arith.constant 0 : i32
      %dma_start3A_354 = tpu.memref_slice %arg3[%dma_start3A_352, %dma_start3A_353] : memref<100000x1024xf32, #tpu.memory_space<hbm>> -> memref<100000x1024xf32, #tpu.memory_space<hbm>>
      tpu.enqueue_indirect_dma source(%dma_start3A_354 : memref<100000x1024xf32, #tpu.memory_space<hbm>>) target(%arg8 : memref<16x1024xf32, #tpu.memory_space<vmem>>) offsets(%dma_start3A_351 : memref<16xi32, #tpu.memory_space<vmem>>) semaphore(%arg14 : memref<!tpu.dma_semaphore, #tpu.memory_space<semaphore_mem>>)
      %mul3A_355 = arith.constant 6 : i32
      %mul3A_356 = arith.muli %mul3A_355, %scan3A_245 : i32
      %add3A_357 = arith.constant 3 : i32
      %add3A_358 = arith.addi %mul3A_356, %add3A_357 : i32
      %mul3A_359 = arith.constant 16 : i32
      %mul3A_360 = arith.muli %add3A_358, %mul3A_359 : i32
      %dma_wait3A_361 = tpu.memref_slice %arg5[%mul3A_360] : memref<512xi32, #tpu.memory_space<vmem>> -> memref<16xi32, #tpu.memory_space<vmem>>
      %dma_wait3A_362 = arith.constant 0 : i32
      %dma_wait3A_363 = arith.constant 0 : i32
      %dma_wait3A_364 = tpu.memref_slice %arg3[%dma_wait3A_362, %dma_wait3A_363] : memref<100000x1024xf32, #tpu.memory_space<hbm>> -> memref<100000x1024xf32, #tpu.memory_space<hbm>>
      tpu.wait_indirect_dma semaphore(%arg15 : memref<!tpu.dma_semaphore, #tpu.memory_space<semaphore_mem>>) src(%dma_wait3A_364 : memref<100000x1024xf32, #tpu.memory_space<hbm>>) dst(%arg9 : memref<16x1024xf32, #tpu.memory_space<vmem>>)
      %mul3A_365 = arith.constant 16 : i32
      %mul3A_366 = arith.muli %add3A_358, %mul3A_365 : i32
      %add3A_367 = arith.addi %mul3A_32, %mul3A_366 : i32
      %dma_start3A_368 = arith.constant 0 : i32
      %dma_start3A_369 = tpu.memref_slice %arg4[%select_n3A, %add3A_367, %dma_start3A_368] : memref<4x4096x1024xf32, #tpu.memory_space<hbm>> -> memref<1x16x1024xf32, #tpu.memory_space<hbm>>
      %dma_start3A_370 = tpu.memref_squeeze %dma_start3A_369 : memref<1x16x1024xf32, #tpu.memory_space<hbm>> -> memref<16x1024xf32, #tpu.memory_space<hbm>>
      %dma_start3A_371 = arith.constant 0 : i32
      %dma_start3A_372 = tpu.memref_slice %arg4[%select_n3A, %add3A_367, %dma_start3A_371] : memref<4x4096x1024xf32, #tpu.memory_space<hbm>> -> memref<1x16x1024xf32, #tpu.memory_space<hbm>>
      %dma_start3A_373 = tpu.memref_squeeze %dma_start3A_372 : memref<1x16x1024xf32, #tpu.memory_space<hbm>> -> memref<16x1024xf32, #tpu.memory_space<hbm>>
      tpu.enqueue_dma source(%arg9 : memref<16x1024xf32, #tpu.memory_space<vmem>>) target(%dma_start3A_373 : memref<16x1024xf32, #tpu.memory_space<hbm>>) target_semaphore(%arg21 : memref<!tpu.dma_semaphore, #tpu.memory_space<semaphore_mem>>)
      %mul3A_374 = arith.constant 16 : i32
      %mul3A_375 = arith.muli %add3A_358, %mul3A_374 : i32
      %add3A_376 = arith.addi %mul3A_32, %mul3A_375 : i32
      %dma_wait3A_377 = arith.constant 0 : i32
      %dma_wait3A_378 = tpu.memref_slice %arg4[%select_n3A, %add3A_376, %dma_wait3A_377] : memref<4x4096x1024xf32, #tpu.memory_space<hbm>> -> memref<1x16x1024xf32, #tpu.memory_space<hbm>>
      %dma_wait3A_379 = tpu.memref_squeeze %dma_wait3A_378 : memref<1x16x1024xf32, #tpu.memory_space<hbm>> -> memref<16x1024xf32, #tpu.memory_space<hbm>>
      %dma_wait3A_380 = arith.constant 0 : i32
      %dma_wait3A_381 = tpu.memref_slice %arg4[%select_n3A, %add3A_376, %dma_wait3A_380] : memref<4x4096x1024xf32, #tpu.memory_space<hbm>> -> memref<1x16x1024xf32, #tpu.memory_space<hbm>>
      %dma_wait3A_382 = tpu.memref_squeeze %dma_wait3A_381 : memref<1x16x1024xf32, #tpu.memory_space<hbm>> -> memref<16x1024xf32, #tpu.memory_space<hbm>>
      tpu.wait_dma2 semaphore(%arg21 : memref<!tpu.dma_semaphore, #tpu.memory_space<semaphore_mem>>) src(%arg9 : memref<16x1024xf32, #tpu.memory_space<vmem>>) dst(%dma_wait3A_382 : memref<16x1024xf32, #tpu.memory_space<hbm>>)
      %add3A_383 = arith.constant 6 : i32
      %add3A_384 = arith.addi %add3A_358, %add3A_383 : i32
      %mul3A_385 = arith.constant 16 : i32
      %mul3A_386 = arith.muli %add3A_384, %mul3A_385 : i32
      %dma_start3A_387 = tpu.memref_slice %arg5[%mul3A_386] : memref<512xi32, #tpu.memory_space<vmem>> -> memref<16xi32, #tpu.memory_space<vmem>>
      %dma_start3A_388 = arith.constant 0 : i32
      %dma_start3A_389 = arith.constant 0 : i32
      %dma_start3A_390 = tpu.memref_slice %arg3[%dma_start3A_388, %dma_start3A_389] : memref<100000x1024xf32, #tpu.memory_space<hbm>> -> memref<100000x1024xf32, #tpu.memory_space<hbm>>
      tpu.enqueue_indirect_dma source(%dma_start3A_390 : memref<100000x1024xf32, #tpu.memory_space<hbm>>) target(%arg9 : memref<16x1024xf32, #tpu.memory_space<vmem>>) offsets(%dma_start3A_387 : memref<16xi32, #tpu.memory_space<vmem>>) semaphore(%arg15 : memref<!tpu.dma_semaphore, #tpu.memory_space<semaphore_mem>>)
      %mul3A_391 = arith.constant 6 : i32
      %mul3A_392 = arith.muli %mul3A_391, %scan3A_245 : i32
      %add3A_393 = arith.constant 4 : i32
      %add3A_394 = arith.addi %mul3A_392, %add3A_393 : i32
      %mul3A_395 = arith.constant 16 : i32
      %mul3A_396 = arith.muli %add3A_394, %mul3A_395 : i32
      %dma_wait3A_397 = tpu.memref_slice %arg5[%mul3A_396] : memref<512xi32, #tpu.memory_space<vmem>> -> memref<16xi32, #tpu.memory_space<vmem>>
      %dma_wait3A_398 = arith.constant 0 : i32
      %dma_wait3A_399 = arith.constant 0 : i32
      %dma_wait3A_400 = tpu.memref_slice %arg3[%dma_wait3A_398, %dma_wait3A_399] : memref<100000x1024xf32, #tpu.memory_space<hbm>> -> memref<100000x1024xf32, #tpu.memory_space<hbm>>
      tpu.wait_indirect_dma semaphore(%arg16 : memref<!tpu.dma_semaphore, #tpu.memory_space<semaphore_mem>>) src(%dma_wait3A_400 : memref<100000x1024xf32, #tpu.memory_space<hbm>>) dst(%arg10 : memref<16x1024xf32, #tpu.memory_space<vmem>>)
      %mul3A_401 = arith.constant 16 : i32
      %mul3A_402 = arith.muli %add3A_394, %mul3A_401 : i32
      %add3A_403 = arith.addi %mul3A_32, %mul3A_402 : i32
      %dma_start3A_404 = arith.constant 0 : i32
      %dma_start3A_405 = tpu.memref_slice %arg4[%select_n3A, %add3A_403, %dma_start3A_404] : memref<4x4096x1024xf32, #tpu.memory_space<hbm>> -> memref<1x16x1024xf32, #tpu.memory_space<hbm>>
      %dma_start3A_406 = tpu.memref_squeeze %dma_start3A_405 : memref<1x16x1024xf32, #tpu.memory_space<hbm>> -> memref<16x1024xf32, #tpu.memory_space<hbm>>
      %dma_start3A_407 = arith.constant 0 : i32
      %dma_start3A_408 = tpu.memref_slice %arg4[%select_n3A, %add3A_403, %dma_start3A_407] : memref<4x4096x1024xf32, #tpu.memory_space<hbm>> -> memref<1x16x1024xf32, #tpu.memory_space<hbm>>
      %dma_start3A_409 = tpu.memref_squeeze %dma_start3A_408 : memref<1x16x1024xf32, #tpu.memory_space<hbm>> -> memref<16x1024xf32, #tpu.memory_space<hbm>>
      tpu.enqueue_dma source(%arg10 : memref<16x1024xf32, #tpu.memory_space<vmem>>) target(%dma_start3A_409 : memref<16x1024xf32, #tpu.memory_space<hbm>>) target_semaphore(%arg22 : memref<!tpu.dma_semaphore, #tpu.memory_space<semaphore_mem>>)
      %mul3A_410 = arith.constant 16 : i32
      %mul3A_411 = arith.muli %add3A_394, %mul3A_410 : i32
      %add3A_412 = arith.addi %mul3A_32, %mul3A_411 : i32
      %dma_wait3A_413 = arith.constant 0 : i32
      %dma_wait3A_414 = tpu.memref_slice %arg4[%select_n3A, %add3A_412, %dma_wait3A_413] : memref<4x4096x1024xf32, #tpu.memory_space<hbm>> -> memref<1x16x1024xf32, #tpu.memory_space<hbm>>
      %dma_wait3A_415 = tpu.memref_squeeze %dma_wait3A_414 : memref<1x16x1024xf32, #tpu.memory_space<hbm>> -> memref<16x1024xf32, #tpu.memory_space<hbm>>
      %dma_wait3A_416 = arith.constant 0 : i32
      %dma_wait3A_417 = tpu.memref_slice %arg4[%select_n3A, %add3A_412, %dma_wait3A_416] : memref<4x4096x1024xf32, #tpu.memory_space<hbm>> -> memref<1x16x1024xf32, #tpu.memory_space<hbm>>
      %dma_wait3A_418 = tpu.memref_squeeze %dma_wait3A_417 : memref<1x16x1024xf32, #tpu.memory_space<hbm>> -> memref<16x1024xf32, #tpu.memory_space<hbm>>
      tpu.wait_dma2 semaphore(%arg22 : memref<!tpu.dma_semaphore, #tpu.memory_space<semaphore_mem>>) src(%arg10 : memref<16x1024xf32, #tpu.memory_space<vmem>>) dst(%dma_wait3A_418 : memref<16x1024xf32, #tpu.memory_space<hbm>>)
      %add3A_419 = arith.constant 6 : i32
      %add3A_420 = arith.addi %add3A_394, %add3A_419 : i32
      %mul3A_421 = arith.constant 16 : i32
      %mul3A_422 = arith.muli %add3A_420, %mul3A_421 : i32
      %dma_start3A_423 = tpu.memref_slice %arg5[%mul3A_422] : memref<512xi32, #tpu.memory_space<vmem>> -> memref<16xi32, #tpu.memory_space<vmem>>
      %dma_start3A_424 = arith.constant 0 : i32
      %dma_start3A_425 = arith.constant 0 : i32
      %dma_start3A_426 = tpu.memref_slice %arg3[%dma_start3A_424, %dma_start3A_425] : memref<100000x1024xf32, #tpu.memory_space<hbm>> -> memref<100000x1024xf32, #tpu.memory_space<hbm>>
      tpu.enqueue_indirect_dma source(%dma_start3A_426 : memref<100000x1024xf32, #tpu.memory_space<hbm>>) target(%arg10 : memref<16x1024xf32, #tpu.memory_space<vmem>>) offsets(%dma_start3A_423 : memref<16xi32, #tpu.memory_space<vmem>>) semaphore(%arg16 : memref<!tpu.dma_semaphore, #tpu.memory_space<semaphore_mem>>)
      %mul3A_427 = arith.constant 6 : i32
      %mul3A_428 = arith.muli %mul3A_427, %scan3A_245 : i32
      %add3A_429 = arith.constant 5 : i32
      %add3A_430 = arith.addi %mul3A_428, %add3A_429 : i32
      %mul3A_431 = arith.constant 16 : i32
      %mul3A_432 = arith.muli %add3A_430, %mul3A_431 : i32
      %dma_wait3A_433 = tpu.memref_slice %arg5[%mul3A_432] : memref<512xi32, #tpu.memory_space<vmem>> -> memref<16xi32, #tpu.memory_space<vmem>>
      %dma_wait3A_434 = arith.constant 0 : i32
      %dma_wait3A_435 = arith.constant 0 : i32
      %dma_wait3A_436 = tpu.memref_slice %arg3[%dma_wait3A_434, %dma_wait3A_435] : memref<100000x1024xf32, #tpu.memory_space<hbm>> -> memref<100000x1024xf32, #tpu.memory_space<hbm>>
      tpu.wait_indirect_dma semaphore(%arg17 : memref<!tpu.dma_semaphore, #tpu.memory_space<semaphore_mem>>) src(%dma_wait3A_436 : memref<100000x1024xf32, #tpu.memory_space<hbm>>) dst(%arg11 : memref<16x1024xf32, #tpu.memory_space<vmem>>)
      %mul3A_437 = arith.constant 16 : i32
      %mul3A_438 = arith.muli %add3A_430, %mul3A_437 : i32
      %add3A_439 = arith.addi %mul3A_32, %mul3A_438 : i32
      %dma_start3A_440 = arith.constant 0 : i32
      %dma_start3A_441 = tpu.memref_slice %arg4[%select_n3A, %add3A_439, %dma_start3A_440] : memref<4x4096x1024xf32, #tpu.memory_space<hbm>> -> memref<1x16x1024xf32, #tpu.memory_space<hbm>>
      %dma_start3A_442 = tpu.memref_squeeze %dma_start3A_441 : memref<1x16x1024xf32, #tpu.memory_space<hbm>> -> memref<16x1024xf32, #tpu.memory_space<hbm>>
      %dma_start3A_443 = arith.constant 0 : i32
      %dma_start3A_444 = tpu.memref_slice %arg4[%select_n3A, %add3A_439, %dma_start3A_443] : memref<4x4096x1024xf32, #tpu.memory_space<hbm>> -> memref<1x16x1024xf32, #tpu.memory_space<hbm>>
      %dma_start3A_445 = tpu.memref_squeeze %dma_start3A_444 : memref<1x16x1024xf32, #tpu.memory_space<hbm>> -> memref<16x1024xf32, #tpu.memory_space<hbm>>
      tpu.enqueue_dma source(%arg11 : memref<16x1024xf32, #tpu.memory_space<vmem>>) target(%dma_start3A_445 : memref<16x1024xf32, #tpu.memory_space<hbm>>) target_semaphore(%arg23 : memref<!tpu.dma_semaphore, #tpu.memory_space<semaphore_mem>>)
      %mul3A_446 = arith.constant 16 : i32
      %mul3A_447 = arith.muli %add3A_430, %mul3A_446 : i32
      %add3A_448 = arith.addi %mul3A_32, %mul3A_447 : i32
      %dma_wait3A_449 = arith.constant 0 : i32
      %dma_wait3A_450 = tpu.memref_slice %arg4[%select_n3A, %add3A_448, %dma_wait3A_449] : memref<4x4096x1024xf32, #tpu.memory_space<hbm>> -> memref<1x16x1024xf32, #tpu.memory_space<hbm>>
      %dma_wait3A_451 = tpu.memref_squeeze %dma_wait3A_450 : memref<1x16x1024xf32, #tpu.memory_space<hbm>> -> memref<16x1024xf32, #tpu.memory_space<hbm>>
      %dma_wait3A_452 = arith.constant 0 : i32
      %dma_wait3A_453 = tpu.memref_slice %arg4[%select_n3A, %add3A_448, %dma_wait3A_452] : memref<4x4096x1024xf32, #tpu.memory_space<hbm>> -> memref<1x16x1024xf32, #tpu.memory_space<hbm>>
      %dma_wait3A_454 = tpu.memref_squeeze %dma_wait3A_453 : memref<1x16x1024xf32, #tpu.memory_space<hbm>> -> memref<16x1024xf32, #tpu.memory_space<hbm>>
      tpu.wait_dma2 semaphore(%arg23 : memref<!tpu.dma_semaphore, #tpu.memory_space<semaphore_mem>>) src(%arg11 : memref<16x1024xf32, #tpu.memory_space<vmem>>) dst(%dma_wait3A_454 : memref<16x1024xf32, #tpu.memory_space<hbm>>)
      %add3A_455 = arith.constant 6 : i32
      %add3A_456 = arith.addi %add3A_430, %add3A_455 : i32
      %mul3A_457 = arith.constant 16 : i32
      %mul3A_458 = arith.muli %add3A_456, %mul3A_457 : i32
      %dma_start3A_459 = tpu.memref_slice %arg5[%mul3A_458] : memref<512xi32, #tpu.memory_space<vmem>> -> memref<16xi32, #tpu.memory_space<vmem>>
      %dma_start3A_460 = arith.constant 0 : i32
      %dma_start3A_461 = arith.constant 0 : i32
      %dma_start3A_462 = tpu.memref_slice %arg3[%dma_start3A_460, %dma_start3A_461] : memref<100000x1024xf32, #tpu.memory_space<hbm>> -> memref<100000x1024xf32, #tpu.memory_space<hbm>>
      tpu.enqueue_indirect_dma source(%dma_start3A_462 : memref<100000x1024xf32, #tpu.memory_space<hbm>>) target(%arg11 : memref<16x1024xf32, #tpu.memory_space<vmem>>) offsets(%dma_start3A_459 : memref<16xi32, #tpu.memory_space<vmem>>) semaphore(%arg17 : memref<!tpu.dma_semaphore, #tpu.memory_space<semaphore_mem>>)
      %scan3A_463 = arith.constant 0 : i32
      scf.yield %scan3A_463 : i32
    }
    %scan3A_67 = arith.constant 4 : i32
    %dma_wait3A = arith.constant 384 : i32
    %dma_wait3A_68 = tpu.memref_slice %arg5[%dma_wait3A] : memref<512xi32, #tpu.memory_space<vmem>> -> memref<16xi32, #tpu.memory_space<vmem>>
    %dma_wait3A_69 = arith.constant 0 : i32
    %dma_wait3A_70 = arith.constant 0 : i32
    %dma_wait3A_71 = tpu.memref_slice %arg3[%dma_wait3A_69, %dma_wait3A_70] : memref<100000x1024xf32, #tpu.memory_space<hbm>> -> memref<100000x1024xf32, #tpu.memory_space<hbm>>
    tpu.wait_indirect_dma semaphore(%arg12 : memref<!tpu.dma_semaphore, #tpu.memory_space<semaphore_mem>>) src(%dma_wait3A_71 : memref<100000x1024xf32, #tpu.memory_space<hbm>>) dst(%arg6 : memref<16x1024xf32, #tpu.memory_space<vmem>>)
    %add3A_72 = arith.constant 384 : i32
    %add3A_73 = arith.addi %mul3A_32, %add3A_72 : i32
    %dma_start3A_74 = arith.constant 0 : i32
    %dma_start3A_75 = tpu.memref_slice %arg4[%select_n3A, %add3A_73, %dma_start3A_74] : memref<4x4096x1024xf32, #tpu.memory_space<hbm>> -> memref<1x16x1024xf32, #tpu.memory_space<hbm>>
    %dma_start3A_76 = tpu.memref_squeeze %dma_start3A_75 : memref<1x16x1024xf32, #tpu.memory_space<hbm>> -> memref<16x1024xf32, #tpu.memory_space<hbm>>
    %dma_start3A_77 = arith.constant 0 : i32
    %dma_start3A_78 = tpu.memref_slice %arg4[%select_n3A, %add3A_73, %dma_start3A_77] : memref<4x4096x1024xf32, #tpu.memory_space<hbm>> -> memref<1x16x1024xf32, #tpu.memory_space<hbm>>
    %dma_start3A_79 = tpu.memref_squeeze %dma_start3A_78 : memref<1x16x1024xf32, #tpu.memory_space<hbm>> -> memref<16x1024xf32, #tpu.memory_space<hbm>>
    tpu.enqueue_dma source(%arg6 : memref<16x1024xf32, #tpu.memory_space<vmem>>) target(%dma_start3A_79 : memref<16x1024xf32, #tpu.memory_space<hbm>>) target_semaphore(%arg18 : memref<!tpu.dma_semaphore, #tpu.memory_space<semaphore_mem>>)
    %add3A_80 = arith.constant 384 : i32
    %add3A_81 = arith.addi %mul3A_32, %add3A_80 : i32
    %dma_wait3A_82 = arith.constant 0 : i32
    %dma_wait3A_83 = tpu.memref_slice %arg4[%select_n3A, %add3A_81, %dma_wait3A_82] : memref<4x4096x1024xf32, #tpu.memory_space<hbm>> -> memref<1x16x1024xf32, #tpu.memory_space<hbm>>
    %dma_wait3A_84 = tpu.memref_squeeze %dma_wait3A_83 : memref<1x16x1024xf32, #tpu.memory_space<hbm>> -> memref<16x1024xf32, #tpu.memory_space<hbm>>
    %dma_wait3A_85 = arith.constant 0 : i32
    %dma_wait3A_86 = tpu.memref_slice %arg4[%select_n3A, %add3A_81, %dma_wait3A_85] : memref<4x4096x1024xf32, #tpu.memory_space<hbm>> -> memref<1x16x1024xf32, #tpu.memory_space<hbm>>
    %dma_wait3A_87 = tpu.memref_squeeze %dma_wait3A_86 : memref<1x16x1024xf32, #tpu.memory_space<hbm>> -> memref<16x1024xf32, #tpu.memory_space<hbm>>
    tpu.wait_dma2 semaphore(%arg18 : memref<!tpu.dma_semaphore, #tpu.memory_space<semaphore_mem>>) src(%arg6 : memref<16x1024xf32, #tpu.memory_space<vmem>>) dst(%dma_wait3A_87 : memref<16x1024xf32, #tpu.memory_space<hbm>>)
    %dma_start3A_88 = arith.constant 480 : i32
    %dma_start3A_89 = tpu.memref_slice %arg5[%dma_start3A_88] : memref<512xi32, #tpu.memory_space<vmem>> -> memref<16xi32, #tpu.memory_space<vmem>>
    %dma_start3A_90 = arith.constant 0 : i32
    %dma_start3A_91 = arith.constant 0 : i32
    %dma_start3A_92 = tpu.memref_slice %arg3[%dma_start3A_90, %dma_start3A_91] : memref<100000x1024xf32, #tpu.memory_space<hbm>> -> memref<100000x1024xf32, #tpu.memory_space<hbm>>
    tpu.enqueue_indirect_dma source(%dma_start3A_92 : memref<100000x1024xf32, #tpu.memory_space<hbm>>) target(%arg6 : memref<16x1024xf32, #tpu.memory_space<vmem>>) offsets(%dma_start3A_89 : memref<16xi32, #tpu.memory_space<vmem>>) semaphore(%arg12 : memref<!tpu.dma_semaphore, #tpu.memory_space<semaphore_mem>>)
    %dma_wait3A_93 = arith.constant 400 : i32
    %dma_wait3A_94 = tpu.memref_slice %arg5[%dma_wait3A_93] : memref<512xi32, #tpu.memory_space<vmem>> -> memref<16xi32, #tpu.memory_space<vmem>>
    %dma_wait3A_95 = arith.constant 0 : i32
    %dma_wait3A_96 = arith.constant 0 : i32
    %dma_wait3A_97 = tpu.memref_slice %arg3[%dma_wait3A_95, %dma_wait3A_96] : memref<100000x1024xf32, #tpu.memory_space<hbm>> -> memref<100000x1024xf32, #tpu.memory_space<hbm>>
    tpu.wait_indirect_dma semaphore(%arg13 : memref<!tpu.dma_semaphore, #tpu.memory_space<semaphore_mem>>) src(%dma_wait3A_97 : memref<100000x1024xf32, #tpu.memory_space<hbm>>) dst(%arg7 : memref<16x1024xf32, #tpu.memory_space<vmem>>)
    %add3A_98 = arith.constant 400 : i32
    %add3A_99 = arith.addi %mul3A_32, %add3A_98 : i32
    %dma_start3A_100 = arith.constant 0 : i32
    %dma_start3A_101 = tpu.memref_slice %arg4[%select_n3A, %add3A_99, %dma_start3A_100] : memref<4x4096x1024xf32, #tpu.memory_space<hbm>> -> memref<1x16x1024xf32, #tpu.memory_space<hbm>>
    %dma_start3A_102 = tpu.memref_squeeze %dma_start3A_101 : memref<1x16x1024xf32, #tpu.memory_space<hbm>> -> memref<16x1024xf32, #tpu.memory_space<hbm>>
    %dma_start3A_103 = arith.constant 0 : i32
    %dma_start3A_104 = tpu.memref_slice %arg4[%select_n3A, %add3A_99, %dma_start3A_103] : memref<4x4096x1024xf32, #tpu.memory_space<hbm>> -> memref<1x16x1024xf32, #tpu.memory_space<hbm>>
    %dma_start3A_105 = tpu.memref_squeeze %dma_start3A_104 : memref<1x16x1024xf32, #tpu.memory_space<hbm>> -> memref<16x1024xf32, #tpu.memory_space<hbm>>
    tpu.enqueue_dma source(%arg7 : memref<16x1024xf32, #tpu.memory_space<vmem>>) target(%dma_start3A_105 : memref<16x1024xf32, #tpu.memory_space<hbm>>) target_semaphore(%arg19 : memref<!tpu.dma_semaphore, #tpu.memory_space<semaphore_mem>>)
    %add3A_106 = arith.constant 400 : i32
    %add3A_107 = arith.addi %mul3A_32, %add3A_106 : i32
    %dma_wait3A_108 = arith.constant 0 : i32
    %dma_wait3A_109 = tpu.memref_slice %arg4[%select_n3A, %add3A_107, %dma_wait3A_108] : memref<4x4096x1024xf32, #tpu.memory_space<hbm>> -> memref<1x16x1024xf32, #tpu.memory_space<hbm>>
    %dma_wait3A_110 = tpu.memref_squeeze %dma_wait3A_109 : memref<1x16x1024xf32, #tpu.memory_space<hbm>> -> memref<16x1024xf32, #tpu.memory_space<hbm>>
    %dma_wait3A_111 = arith.constant 0 : i32
    %dma_wait3A_112 = tpu.memref_slice %arg4[%select_n3A, %add3A_107, %dma_wait3A_111] : memref<4x4096x1024xf32, #tpu.memory_space<hbm>> -> memref<1x16x1024xf32, #tpu.memory_space<hbm>>
    %dma_wait3A_113 = tpu.memref_squeeze %dma_wait3A_112 : memref<1x16x1024xf32, #tpu.memory_space<hbm>> -> memref<16x1024xf32, #tpu.memory_space<hbm>>
    tpu.wait_dma2 semaphore(%arg19 : memref<!tpu.dma_semaphore, #tpu.memory_space<semaphore_mem>>) src(%arg7 : memref<16x1024xf32, #tpu.memory_space<vmem>>) dst(%dma_wait3A_113 : memref<16x1024xf32, #tpu.memory_space<hbm>>)
    %dma_start3A_114 = arith.constant 496 : i32
    %dma_start3A_115 = tpu.memref_slice %arg5[%dma_start3A_114] : memref<512xi32, #tpu.memory_space<vmem>> -> memref<16xi32, #tpu.memory_space<vmem>>
    %dma_start3A_116 = arith.constant 0 : i32
    %dma_start3A_117 = arith.constant 0 : i32
    %dma_start3A_118 = tpu.memref_slice %arg3[%dma_start3A_116, %dma_start3A_117] : memref<100000x1024xf32, #tpu.memory_space<hbm>> -> memref<100000x1024xf32, #tpu.memory_space<hbm>>
    tpu.enqueue_indirect_dma source(%dma_start3A_118 : memref<100000x1024xf32, #tpu.memory_space<hbm>>) target(%arg7 : memref<16x1024xf32, #tpu.memory_space<vmem>>) offsets(%dma_start3A_115 : memref<16xi32, #tpu.memory_space<vmem>>) semaphore(%arg13 : memref<!tpu.dma_semaphore, #tpu.memory_space<semaphore_mem>>)
    %dma_wait3A_119 = arith.constant 416 : i32
    %dma_wait3A_120 = tpu.memref_slice %arg5[%dma_wait3A_119] : memref<512xi32, #tpu.memory_space<vmem>> -> memref<16xi32, #tpu.memory_space<vmem>>
    %dma_wait3A_121 = arith.constant 0 : i32
    %dma_wait3A_122 = arith.constant 0 : i32
    %dma_wait3A_123 = tpu.memref_slice %arg3[%dma_wait3A_121, %dma_wait3A_122] : memref<100000x1024xf32, #tpu.memory_space<hbm>> -> memref<100000x1024xf32, #tpu.memory_space<hbm>>
    tpu.wait_indirect_dma semaphore(%arg14 : memref<!tpu.dma_semaphore, #tpu.memory_space<semaphore_mem>>) src(%dma_wait3A_123 : memref<100000x1024xf32, #tpu.memory_space<hbm>>) dst(%arg8 : memref<16x1024xf32, #tpu.memory_space<vmem>>)
    %add3A_124 = arith.constant 416 : i32
    %add3A_125 = arith.addi %mul3A_32, %add3A_124 : i32
    %dma_start3A_126 = arith.constant 0 : i32
    %dma_start3A_127 = tpu.memref_slice %arg4[%select_n3A, %add3A_125, %dma_start3A_126] : memref<4x4096x1024xf32, #tpu.memory_space<hbm>> -> memref<1x16x1024xf32, #tpu.memory_space<hbm>>
    %dma_start3A_128 = tpu.memref_squeeze %dma_start3A_127 : memref<1x16x1024xf32, #tpu.memory_space<hbm>> -> memref<16x1024xf32, #tpu.memory_space<hbm>>
    %dma_start3A_129 = arith.constant 0 : i32
    %dma_start3A_130 = tpu.memref_slice %arg4[%select_n3A, %add3A_125, %dma_start3A_129] : memref<4x4096x1024xf32, #tpu.memory_space<hbm>> -> memref<1x16x1024xf32, #tpu.memory_space<hbm>>
    %dma_start3A_131 = tpu.memref_squeeze %dma_start3A_130 : memref<1x16x1024xf32, #tpu.memory_space<hbm>> -> memref<16x1024xf32, #tpu.memory_space<hbm>>
    tpu.enqueue_dma source(%arg8 : memref<16x1024xf32, #tpu.memory_space<vmem>>) target(%dma_start3A_131 : memref<16x1024xf32, #tpu.memory_space<hbm>>) target_semaphore(%arg20 : memref<!tpu.dma_semaphore, #tpu.memory_space<semaphore_mem>>)
    %dma_wait3A_132 = arith.constant 432 : i32
    %dma_wait3A_133 = tpu.memref_slice %arg5[%dma_wait3A_132] : memref<512xi32, #tpu.memory_space<vmem>> -> memref<16xi32, #tpu.memory_space<vmem>>
    %dma_wait3A_134 = arith.constant 0 : i32
    %dma_wait3A_135 = arith.constant 0 : i32
    %dma_wait3A_136 = tpu.memref_slice %arg3[%dma_wait3A_134, %dma_wait3A_135] : memref<100000x1024xf32, #tpu.memory_space<hbm>> -> memref<100000x1024xf32, #tpu.memory_space<hbm>>
    tpu.wait_indirect_dma semaphore(%arg15 : memref<!tpu.dma_semaphore, #tpu.memory_space<semaphore_mem>>) src(%dma_wait3A_136 : memref<100000x1024xf32, #tpu.memory_space<hbm>>) dst(%arg9 : memref<16x1024xf32, #tpu.memory_space<vmem>>)
    %add3A_137 = arith.constant 432 : i32
    %add3A_138 = arith.addi %mul3A_32, %add3A_137 : i32
    %dma_start3A_139 = arith.constant 0 : i32
    %dma_start3A_140 = tpu.memref_slice %arg4[%select_n3A, %add3A_138, %dma_start3A_139] : memref<4x4096x1024xf32, #tpu.memory_space<hbm>> -> memref<1x16x1024xf32, #tpu.memory_space<hbm>>
    %dma_start3A_141 = tpu.memref_squeeze %dma_start3A_140 : memref<1x16x1024xf32, #tpu.memory_space<hbm>> -> memref<16x1024xf32, #tpu.memory_space<hbm>>
    %dma_start3A_142 = arith.constant 0 : i32
    %dma_start3A_143 = tpu.memref_slice %arg4[%select_n3A, %add3A_138, %dma_start3A_142] : memref<4x4096x1024xf32, #tpu.memory_space<hbm>> -> memref<1x16x1024xf32, #tpu.memory_space<hbm>>
    %dma_start3A_144 = tpu.memref_squeeze %dma_start3A_143 : memref<1x16x1024xf32, #tpu.memory_space<hbm>> -> memref<16x1024xf32, #tpu.memory_space<hbm>>
    tpu.enqueue_dma source(%arg9 : memref<16x1024xf32, #tpu.memory_space<vmem>>) target(%dma_start3A_144 : memref<16x1024xf32, #tpu.memory_space<hbm>>) target_semaphore(%arg21 : memref<!tpu.dma_semaphore, #tpu.memory_space<semaphore_mem>>)
    %dma_wait3A_145 = arith.constant 448 : i32
    %dma_wait3A_146 = tpu.memref_slice %arg5[%dma_wait3A_145] : memref<512xi32, #tpu.memory_space<vmem>> -> memref<16xi32, #tpu.memory_space<vmem>>
    %dma_wait3A_147 = arith.constant 0 : i32
    %dma_wait3A_148 = arith.constant 0 : i32
    %dma_wait3A_149 = tpu.memref_slice %arg3[%dma_wait3A_147, %dma_wait3A_148] : memref<100000x1024xf32, #tpu.memory_space<hbm>> -> memref<100000x1024xf32, #tpu.memory_space<hbm>>
    tpu.wait_indirect_dma semaphore(%arg16 : memref<!tpu.dma_semaphore, #tpu.memory_space<semaphore_mem>>) src(%dma_wait3A_149 : memref<100000x1024xf32, #tpu.memory_space<hbm>>) dst(%arg10 : memref<16x1024xf32, #tpu.memory_space<vmem>>)
    %add3A_150 = arith.constant 448 : i32
    %add3A_151 = arith.addi %mul3A_32, %add3A_150 : i32
    %dma_start3A_152 = arith.constant 0 : i32
    %dma_start3A_153 = tpu.memref_slice %arg4[%select_n3A, %add3A_151, %dma_start3A_152] : memref<4x4096x1024xf32, #tpu.memory_space<hbm>> -> memref<1x16x1024xf32, #tpu.memory_space<hbm>>
    %dma_start3A_154 = tpu.memref_squeeze %dma_start3A_153 : memref<1x16x1024xf32, #tpu.memory_space<hbm>> -> memref<16x1024xf32, #tpu.memory_space<hbm>>
    %dma_start3A_155 = arith.constant 0 : i32
    %dma_start3A_156 = tpu.memref_slice %arg4[%select_n3A, %add3A_151, %dma_start3A_155] : memref<4x4096x1024xf32, #tpu.memory_space<hbm>> -> memref<1x16x1024xf32, #tpu.memory_space<hbm>>
    %dma_start3A_157 = tpu.memref_squeeze %dma_start3A_156 : memref<1x16x1024xf32, #tpu.memory_space<hbm>> -> memref<16x1024xf32, #tpu.memory_space<hbm>>
    tpu.enqueue_dma source(%arg10 : memref<16x1024xf32, #tpu.memory_space<vmem>>) target(%dma_start3A_157 : memref<16x1024xf32, #tpu.memory_space<hbm>>) target_semaphore(%arg22 : memref<!tpu.dma_semaphore, #tpu.memory_space<semaphore_mem>>)
    %dma_wait3A_158 = arith.constant 464 : i32
    %dma_wait3A_159 = tpu.memref_slice %arg5[%dma_wait3A_158] : memref<512xi32, #tpu.memory_space<vmem>> -> memref<16xi32, #tpu.memory_space<vmem>>
    %dma_wait3A_160 = arith.constant 0 : i32
    %dma_wait3A_161 = arith.constant 0 : i32
    %dma_wait3A_162 = tpu.memref_slice %arg3[%dma_wait3A_160, %dma_wait3A_161] : memref<100000x1024xf32, #tpu.memory_space<hbm>> -> memref<100000x1024xf32, #tpu.memory_space<hbm>>
    tpu.wait_indirect_dma semaphore(%arg17 : memref<!tpu.dma_semaphore, #tpu.memory_space<semaphore_mem>>) src(%dma_wait3A_162 : memref<100000x1024xf32, #tpu.memory_space<hbm>>) dst(%arg11 : memref<16x1024xf32, #tpu.memory_space<vmem>>)
    %add3A_163 = arith.constant 464 : i32
    %add3A_164 = arith.addi %mul3A_32, %add3A_163 : i32
    %dma_start3A_165 = arith.constant 0 : i32
    %dma_start3A_166 = tpu.memref_slice %arg4[%select_n3A, %add3A_164, %dma_start3A_165] : memref<4x4096x1024xf32, #tpu.memory_space<hbm>> -> memref<1x16x1024xf32, #tpu.memory_space<hbm>>
    %dma_start3A_167 = tpu.memref_squeeze %dma_start3A_166 : memref<1x16x1024xf32, #tpu.memory_space<hbm>> -> memref<16x1024xf32, #tpu.memory_space<hbm>>
    %dma_start3A_168 = arith.constant 0 : i32
    %dma_start3A_169 = tpu.memref_slice %arg4[%select_n3A, %add3A_164, %dma_start3A_168] : memref<4x4096x1024xf32, #tpu.memory_space<hbm>> -> memref<1x16x1024xf32, #tpu.memory_space<hbm>>
    %dma_start3A_170 = tpu.memref_squeeze %dma_start3A_169 : memref<1x16x1024xf32, #tpu.memory_space<hbm>> -> memref<16x1024xf32, #tpu.memory_space<hbm>>
    tpu.enqueue_dma source(%arg11 : memref<16x1024xf32, #tpu.memory_space<vmem>>) target(%dma_start3A_170 : memref<16x1024xf32, #tpu.memory_space<hbm>>) target_semaphore(%arg23 : memref<!tpu.dma_semaphore, #tpu.memory_space<semaphore_mem>>)
    %dma_wait3A_171 = arith.constant 480 : i32
    %dma_wait3A_172 = tpu.memref_slice %arg5[%dma_wait3A_171] : memref<512xi32, #tpu.memory_space<vmem>> -> memref<16xi32, #tpu.memory_space<vmem>>
    %dma_wait3A_173 = arith.constant 0 : i32
    %dma_wait3A_174 = arith.constant 0 : i32
    %dma_wait3A_175 = tpu.memref_slice %arg3[%dma_wait3A_173, %dma_wait3A_174] : memref<100000x1024xf32, #tpu.memory_space<hbm>> -> memref<100000x1024xf32, #tpu.memory_space<hbm>>
    tpu.wait_indirect_dma semaphore(%arg12 : memref<!tpu.dma_semaphore, #tpu.memory_space<semaphore_mem>>) src(%dma_wait3A_175 : memref<100000x1024xf32, #tpu.memory_space<hbm>>) dst(%arg6 : memref<16x1024xf32, #tpu.memory_space<vmem>>)
    %add3A_176 = arith.constant 480 : i32
    %add3A_177 = arith.addi %mul3A_32, %add3A_176 : i32
    %dma_start3A_178 = arith.constant 0 : i32
    %dma_start3A_179 = tpu.memref_slice %arg4[%select_n3A, %add3A_177, %dma_start3A_178] : memref<4x4096x1024xf32, #tpu.memory_space<hbm>> -> memref<1x16x1024xf32, #tpu.memory_space<hbm>>
    %dma_start3A_180 = tpu.memref_squeeze %dma_start3A_179 : memref<1x16x1024xf32, #tpu.memory_space<hbm>> -> memref<16x1024xf32, #tpu.memory_space<hbm>>
    %dma_start3A_181 = arith.constant 0 : i32
    %dma_start3A_182 = tpu.memref_slice %arg4[%select_n3A, %add3A_177, %dma_start3A_181] : memref<4x4096x1024xf32, #tpu.memory_space<hbm>> -> memref<1x16x1024xf32, #tpu.memory_space<hbm>>
    %dma_start3A_183 = tpu.memref_squeeze %dma_start3A_182 : memref<1x16x1024xf32, #tpu.memory_space<hbm>> -> memref<16x1024xf32, #tpu.memory_space<hbm>>
    tpu.enqueue_dma source(%arg6 : memref<16x1024xf32, #tpu.memory_space<vmem>>) target(%dma_start3A_183 : memref<16x1024xf32, #tpu.memory_space<hbm>>) target_semaphore(%arg18 : memref<!tpu.dma_semaphore, #tpu.memory_space<semaphore_mem>>)
    %dma_wait3A_184 = arith.constant 496 : i32
    %dma_wait3A_185 = tpu.memref_slice %arg5[%dma_wait3A_184] : memref<512xi32, #tpu.memory_space<vmem>> -> memref<16xi32, #tpu.memory_space<vmem>>
    %dma_wait3A_186 = arith.constant 0 : i32
    %dma_wait3A_187 = arith.constant 0 : i32
    %dma_wait3A_188 = tpu.memref_slice %arg3[%dma_wait3A_186, %dma_wait3A_187] : memref<100000x1024xf32, #tpu.memory_space<hbm>> -> memref<100000x1024xf32, #tpu.memory_space<hbm>>
    tpu.wait_indirect_dma semaphore(%arg13 : memref<!tpu.dma_semaphore, #tpu.memory_space<semaphore_mem>>) src(%dma_wait3A_188 : memref<100000x1024xf32, #tpu.memory_space<hbm>>) dst(%arg7 : memref<16x1024xf32, #tpu.memory_space<vmem>>)
    %add3A_189 = arith.constant 496 : i32
    %add3A_190 = arith.addi %mul3A_32, %add3A_189 : i32
    %dma_start3A_191 = arith.constant 0 : i32
    %dma_start3A_192 = tpu.memref_slice %arg4[%select_n3A, %add3A_190, %dma_start3A_191] : memref<4x4096x1024xf32, #tpu.memory_space<hbm>> -> memref<1x16x1024xf32, #tpu.memory_space<hbm>>
    %dma_start3A_193 = tpu.memref_squeeze %dma_start3A_192 : memref<1x16x1024xf32, #tpu.memory_space<hbm>> -> memref<16x1024xf32, #tpu.memory_space<hbm>>
    %dma_start3A_194 = arith.constant 0 : i32
    %dma_start3A_195 = tpu.memref_slice %arg4[%select_n3A, %add3A_190, %dma_start3A_194] : memref<4x4096x1024xf32, #tpu.memory_space<hbm>> -> memref<1x16x1024xf32, #tpu.memory_space<hbm>>
    %dma_start3A_196 = tpu.memref_squeeze %dma_start3A_195 : memref<1x16x1024xf32, #tpu.memory_space<hbm>> -> memref<16x1024xf32, #tpu.memory_space<hbm>>
    tpu.enqueue_dma source(%arg7 : memref<16x1024xf32, #tpu.memory_space<vmem>>) target(%dma_start3A_196 : memref<16x1024xf32, #tpu.memory_space<hbm>>) target_semaphore(%arg19 : memref<!tpu.dma_semaphore, #tpu.memory_space<semaphore_mem>>)
    %add3A_197 = arith.constant 416 : i32
    %add3A_198 = arith.addi %mul3A_32, %add3A_197 : i32
    %dma_wait3A_199 = arith.constant 0 : i32
    %dma_wait3A_200 = tpu.memref_slice %arg4[%select_n3A, %add3A_198, %dma_wait3A_199] : memref<4x4096x1024xf32, #tpu.memory_space<hbm>> -> memref<1x16x1024xf32, #tpu.memory_space<hbm>>
    %dma_wait3A_201 = tpu.memref_squeeze %dma_wait3A_200 : memref<1x16x1024xf32, #tpu.memory_space<hbm>> -> memref<16x1024xf32, #tpu.memory_space<hbm>>
    %dma_wait3A_202 = arith.constant 0 : i32
    %dma_wait3A_203 = tpu.memref_slice %arg4[%select_n3A, %add3A_198, %dma_wait3A_202] : memref<4x4096x1024xf32, #tpu.memory_space<hbm>> -> memref<1x16x1024xf32, #tpu.memory_space<hbm>>
    %dma_wait3A_204 = tpu.memref_squeeze %dma_wait3A_203 : memref<1x16x1024xf32, #tpu.memory_space<hbm>> -> memref<16x1024xf32, #tpu.memory_space<hbm>>
    tpu.wait_dma2 semaphore(%arg20 : memref<!tpu.dma_semaphore, #tpu.memory_space<semaphore_mem>>) src(%arg8 : memref<16x1024xf32, #tpu.memory_space<vmem>>) dst(%dma_wait3A_204 : memref<16x1024xf32, #tpu.memory_space<hbm>>)
    %add3A_205 = arith.constant 432 : i32
    %add3A_206 = arith.addi %mul3A_32, %add3A_205 : i32
    %dma_wait3A_207 = arith.constant 0 : i32
    %dma_wait3A_208 = tpu.memref_slice %arg4[%select_n3A, %add3A_206, %dma_wait3A_207] : memref<4x4096x1024xf32, #tpu.memory_space<hbm>> -> memref<1x16x1024xf32, #tpu.memory_space<hbm>>
    %dma_wait3A_209 = tpu.memref_squeeze %dma_wait3A_208 : memref<1x16x1024xf32, #tpu.memory_space<hbm>> -> memref<16x1024xf32, #tpu.memory_space<hbm>>
    %dma_wait3A_210 = arith.constant 0 : i32
    %dma_wait3A_211 = tpu.memref_slice %arg4[%select_n3A, %add3A_206, %dma_wait3A_210] : memref<4x4096x1024xf32, #tpu.memory_space<hbm>> -> memref<1x16x1024xf32, #tpu.memory_space<hbm>>
    %dma_wait3A_212 = tpu.memref_squeeze %dma_wait3A_211 : memref<1x16x1024xf32, #tpu.memory_space<hbm>> -> memref<16x1024xf32, #tpu.memory_space<hbm>>
    tpu.wait_dma2 semaphore(%arg21 : memref<!tpu.dma_semaphore, #tpu.memory_space<semaphore_mem>>) src(%arg9 : memref<16x1024xf32, #tpu.memory_space<vmem>>) dst(%dma_wait3A_212 : memref<16x1024xf32, #tpu.memory_space<hbm>>)
    %add3A_213 = arith.constant 448 : i32
    %add3A_214 = arith.addi %mul3A_32, %add3A_213 : i32
    %dma_wait3A_215 = arith.constant 0 : i32
    %dma_wait3A_216 = tpu.memref_slice %arg4[%select_n3A, %add3A_214, %dma_wait3A_215] : memref<4x4096x1024xf32, #tpu.memory_space<hbm>> -> memref<1x16x1024xf32, #tpu.memory_space<hbm>>
    %dma_wait3A_217 = tpu.memref_squeeze %dma_wait3A_216 : memref<1x16x1024xf32, #tpu.memory_space<hbm>> -> memref<16x1024xf32, #tpu.memory_space<hbm>>
    %dma_wait3A_218 = arith.constant 0 : i32
    %dma_wait3A_219 = tpu.memref_slice %arg4[%select_n3A, %add3A_214, %dma_wait3A_218] : memref<4x4096x1024xf32, #tpu.memory_space<hbm>> -> memref<1x16x1024xf32, #tpu.memory_space<hbm>>
    %dma_wait3A_220 = tpu.memref_squeeze %dma_wait3A_219 : memref<1x16x1024xf32, #tpu.memory_space<hbm>> -> memref<16x1024xf32, #tpu.memory_space<hbm>>
    tpu.wait_dma2 semaphore(%arg22 : memref<!tpu.dma_semaphore, #tpu.memory_space<semaphore_mem>>) src(%arg10 : memref<16x1024xf32, #tpu.memory_space<vmem>>) dst(%dma_wait3A_220 : memref<16x1024xf32, #tpu.memory_space<hbm>>)
    %add3A_221 = arith.constant 464 : i32
    %add3A_222 = arith.addi %mul3A_32, %add3A_221 : i32
    %dma_wait3A_223 = arith.constant 0 : i32
    %dma_wait3A_224 = tpu.memref_slice %arg4[%select_n3A, %add3A_222, %dma_wait3A_223] : memref<4x4096x1024xf32, #tpu.memory_space<hbm>> -> memref<1x16x1024xf32, #tpu.memory_space<hbm>>
    %dma_wait3A_225 = tpu.memref_squeeze %dma_wait3A_224 : memref<1x16x1024xf32, #tpu.memory_space<hbm>> -> memref<16x1024xf32, #tpu.memory_space<hbm>>
    %dma_wait3A_226 = arith.constant 0 : i32
    %dma_wait3A_227 = tpu.memref_slice %arg4[%select_n3A, %add3A_222, %dma_wait3A_226] : memref<4x4096x1024xf32, #tpu.memory_space<hbm>> -> memref<1x16x1024xf32, #tpu.memory_space<hbm>>
    %dma_wait3A_228 = tpu.memref_squeeze %dma_wait3A_227 : memref<1x16x1024xf32, #tpu.memory_space<hbm>> -> memref<16x1024xf32, #tpu.memory_space<hbm>>
    tpu.wait_dma2 semaphore(%arg23 : memref<!tpu.dma_semaphore, #tpu.memory_space<semaphore_mem>>) src(%arg11 : memref<16x1024xf32, #tpu.memory_space<vmem>>) dst(%dma_wait3A_228 : memref<16x1024xf32, #tpu.memory_space<hbm>>)
    %add3A_229 = arith.constant 480 : i32
    %add3A_230 = arith.addi %mul3A_32, %add3A_229 : i32
    %dma_wait3A_231 = arith.constant 0 : i32
    %dma_wait3A_232 = tpu.memref_slice %arg4[%select_n3A, %add3A_230, %dma_wait3A_231] : memref<4x4096x1024xf32, #tpu.memory_space<hbm>> -> memref<1x16x1024xf32, #tpu.memory_space<hbm>>
    %dma_wait3A_233 = tpu.memref_squeeze %dma_wait3A_232 : memref<1x16x1024xf32, #tpu.memory_space<hbm>> -> memref<16x1024xf32, #tpu.memory_space<hbm>>
    %dma_wait3A_234 = arith.constant 0 : i32
    %dma_wait3A_235 = tpu.memref_slice %arg4[%select_n3A, %add3A_230, %dma_wait3A_234] : memref<4x4096x1024xf32, #tpu.memory_space<hbm>> -> memref<1x16x1024xf32, #tpu.memory_space<hbm>>
    %dma_wait3A_236 = tpu.memref_squeeze %dma_wait3A_235 : memref<1x16x1024xf32, #tpu.memory_space<hbm>> -> memref<16x1024xf32, #tpu.memory_space<hbm>>
    tpu.wait_dma2 semaphore(%arg18 : memref<!tpu.dma_semaphore, #tpu.memory_space<semaphore_mem>>) src(%arg6 : memref<16x1024xf32, #tpu.memory_space<vmem>>) dst(%dma_wait3A_236 : memref<16x1024xf32, #tpu.memory_space<hbm>>)
    %add3A_237 = arith.constant 496 : i32
    %add3A_238 = arith.addi %mul3A_32, %add3A_237 : i32
    %dma_wait3A_239 = arith.constant 0 : i32
    %dma_wait3A_240 = tpu.memref_slice %arg4[%select_n3A, %add3A_238, %dma_wait3A_239] : memref<4x4096x1024xf32, #tpu.memory_space<hbm>> -> memref<1x16x1024xf32, #tpu.memory_space<hbm>>
    %dma_wait3A_241 = tpu.memref_squeeze %dma_wait3A_240 : memref<1x16x1024xf32, #tpu.memory_space<hbm>> -> memref<16x1024xf32, #tpu.memory_space<hbm>>
    %dma_wait3A_242 = arith.constant 0 : i32
    %dma_wait3A_243 = tpu.memref_slice %arg4[%select_n3A, %add3A_238, %dma_wait3A_242] : memref<4x4096x1024xf32, #tpu.memory_space<hbm>> -> memref<1x16x1024xf32, #tpu.memory_space<hbm>>
    %dma_wait3A_244 = tpu.memref_squeeze %dma_wait3A_243 : memref<1x16x1024xf32, #tpu.memory_space<hbm>> -> memref<16x1024xf32, #tpu.memory_space<hbm>>
    tpu.wait_dma2 semaphore(%arg19 : memref<!tpu.dma_semaphore, #tpu.memory_space<semaphore_mem>>) src(%arg7 : memref<16x1024xf32, #tpu.memory_space<vmem>>) dst(%dma_wait3A_244 : memref<16x1024xf32, #tpu.memory_space<hbm>>)
    return
  }
}

</mosaic_0001>

<sc_bundles>
// kernel: _sc_gather.3.cloned.1.call-start
scs
__scs_entry_jumppad:
0x0: {  	(pc) =	sbr.rel $0x88, $3  }
0x1: {  	(tag) =	ssettag $0x0;
	lr =	simm.s32 $0x1  }
0x2: {  	[smem:$0x3F9F] =	sst lr;
	_ =	strace $0xD0000000  }
0x3: {  	_ = 	snop  }
0x4: {  	_ = 	snop  }
0x5: {  	_ = 	snop  }
0x6: {  	_ = 	snop  }
0x7: {  	_ = 	snop  }
__scs_overlays_trampoline_lowered:
0x8: {  	[smem:$0x3FAE] =	sst s0  }
0x9: {  	[smem:$0x3FAF] =	sst s1  }
0xa: {  	[smem:$0x3FB0] =	sst s2  }
0xb: {  	[smem:$0x3FB1] =	sst s3  }
0xc: {  	[smem:$0x3FB2] =	sst s4  }
0xd: {  	[smem:$0x3FB3] =	sst s5  }
0xe: {  	[smem:$0x3FB4] =	sst s6  }
0xf: {  	[smem:$0x3FB5] =	sst s7  }
0x10: {  	[smem:$0x3FB6] =	sst s8  }
0x11: {  	[smem:$0x3FB7] =	sst s9;
	s0 =	simm.s32 @!p0 $0x0  }
0x12: {  	s1 =	sld [smem:$0x3F9D];
	s0 =	simm.s32 @p0 $0x1  }
0x13: {  	[smem:$0x3FB8] =	sst s0;
	s0 =	simm.s32 @!p1 $0x0  }
0x14: {  	s2 =	sld [smem:$0x3F9C];
	s0 =	simm.s32 @p1 $0x1  }
0x15: {  	[smem:$0x3FB9] =	sst s0;
	s0 =	simm.s32 @!p2 $0x0  }
0x16: {  	s3 =	sld [smem:$0x3FDB];
	s0 =	simm.s32 @p2 $0x1  }
0x17: {  	s4 =	simm.s32 $0x1BF5;
	[smem:$0x3FBB] =	sst s0  }
0x18: {  	s0 =	sld [smem:$0x3F9E];
	_ =	swait.ge [sflag:s4], $0x0  }
0x19: {  	s7 =	sld [smem:$0x3F9F]  }
0x1a: {  	s8 =	sadd.s32 $0xFFFFE003, lr  }
0x1b: {  	s9 =	sadd.s32 $0xFFFFFEF7, lr;
	s5 =	simm.s32 $0xFFFFFFFF;
	p2 =	slt.u32 s8, $0xFFFFF086  }
0x1c: {  	p1 =	slt.u32 s9, $0xF7A;
	s5 =	simm.s32 @!p2 $0x0  }
0x1d: {  	s5 =	simm.s32 @p1 $0x1;
	p0 =	seq.s32 s7, s2  }
0x1e: {  	s7 =	smul.u32 @!p0 $0xF7A, s2;
	p2 =	seq.s32 @!p0 s5, $0x0  }
0x1f: {  	s9 =	smul.u32 $0xF7A, s1;
	s8 =	simm.s32 @!p0 $0x1BF5;
	p2 =	por !p2, p0  }
0x20: {  	[sflag:s8] =	ssyncset.s32 @!p0 $0xFFFFF086;
	s6 =	sadd.s32 @!p0 s3, s7;
	s7 =	simm.s32 @!p0 $0x108  }
0x21: {  	s3 =	sadd.s32 s3, s9;
	s6 =	sadd.s32 @!p0 $0x88, s6;
	s7 =	simm.s32 @p2 $0x1082  }
0x22: {  	[simem:s7], [sflag:s8] =	dma.local @!p0 [hbm:s6], $0xF7A  }
0x23: {  	s9 =	sor.u32 $0xD0000000, s2;
	s6 =	simm.s32 $0x108;
	_ =	swait.ge @!p0 [sflag:s8], $0x0  }
0x24: {  	s3 =	sadd.s32 $0x88, s3;
	s6 =	simm.s32 @!p1 $0x1082;
	[sflag:s4] =	ssyncset.s32 $0xFFFFF086  }
0x25: {  	[simem:s6], [sflag:s4] =	dma.local [hbm:s3], $0xF7A  }
0x26: {  	[smem:$0x3F9F] =	sst s1;
	(tag) =	ssettag s2;
	_ =	strace s9  }
0x27: {  	s1 =	sld [smem:$0x3FAF]  }
0x28: {  	s2 =	sld [smem:$0x3FB0]  }
0x29: {  	s4 =	sld [smem:$0x3FB2]  }
0x2a: {  	p0 =	seq.s32 s5, $0x0;
	s5 =	sld [smem:$0x3FB3]  }
0x2b: {  	s6 =	sld [smem:$0x3FB4]  }
0x2c: {  	s7 =	sld [smem:$0x3FB5]  }
0x2d: {  	s3 =	simm.s32 $0x108;
	s8 =	sld [smem:$0x3FB6]  }
0x2e: {  	s3 =	simm.s32 @!p0 $0x1082;
	s9 =	sld [smem:$0x3FB7]  }
0x2f: {  	lr =	sadd.s32 s0, s3;
	s0 =	sld [smem:$0x3FAE]  }
0x30: {  	s3 =	sld [smem:$0x3FB1]  }
0x31: {  	[smem:$0x3FBA] =	sst s10  }
0x32: {  	s10 =	sld [smem:$0x3FB8];
	_ =	sdelay $0x3  }
0x33: {  	p0 =	seq.s32 s10, $0x1;
	s10 =	sld [smem:$0x3FBA];
	_ =	sdelay $0x3  }
0x34: {  	[smem:$0x3FBA] =	sst s10  }
0x35: {  	s10 =	sld [smem:$0x3FB9];
	_ =	sdelay $0x3  }
0x36: {  	p1 =	seq.s32 s10, $0x1;
	s10 =	sld [smem:$0x3FBA];
	_ =	sdelay $0x3  }
0x37: {  	[smem:$0x3FBA] =	sst s10  }
0x38: {  	s10 =	sld [smem:$0x3FBB]  }
0x39: {  	_ = 	snop;
	(pc) =	sbr.ind lr, $3  }
0x3a: {  	_ = 	snop  }
0x3b: {  	_ = 	snop  }
0x3c: {  	p2 =	seq.s32 s10, $0x1;
	s10 =	sld [smem:$0x3FBA]  }
0x3d: {  	_ =	shalt  }
0x3e: {  	_ =	shalt  }
0x3f: {  	_ =	shalt  }
0x40: {  	_ =	shalt  }
0x41: {  	_ =	shalt  }
0x42: {  	_ =	shalt  }
0x43: {  	_ =	shalt  }
0x44: {  	_ =	shalt  }
0x45: {  	_ =	shalt  }
0x46: {  	_ =	shalt  }
0x47: {  	_ =	shalt  }
0x48: {  	_ =	shalt  }
0x49: {  	_ =	shalt  }
0x4a: {  	_ =	shalt  }
0x4b: {  	_ =	shalt  }
0x4c: {  	_ =	shalt  }
0x4d: {  	_ =	shalt  }
0x4e: {  	_ =	shalt  }
0x4f: {  	_ =	shalt  }
0x50: {  	_ =	shalt  }
0x51: {  	_ =	shalt  }
0x52: {  	_ =	shalt  }
0x53: {  	_ =	shalt  }
0x54: {  	_ =	shalt  }
0x55: {  	_ =	shalt  }
0x56: {  	_ =	shalt  }
0x57: {  	_ =	shalt  }
0x58: {  	_ =	shalt  }
0x59: {  	_ =	shalt  }
0x5a: {  	_ =	shalt  }
0x5b: {  	_ =	shalt  }
0x5c: {  	_ =	shalt  }
0x5d: {  	_ =	shalt  }
0x5e: {  	_ =	shalt  }
0x5f: {  	_ =	shalt  }
0x60: {  	_ =	shalt  }
0x61: {  	_ =	shalt  }
0x62: {  	_ =	shalt  }
0x63: {  	_ =	shalt  }
0x64: {  	_ =	shalt  }
0x65: {  	_ =	shalt  }
0x66: {  	_ =	shalt  }
0x67: {  	_ =	shalt  }
0x68: {  	_ =	shalt  }
0x69: {  	_ =	shalt  }
0x6a: {  	_ =	shalt  }
0x6b: {  	_ =	shalt  }
0x6c: {  	_ =	shalt  }
0x6d: {  	_ =	shalt  }
0x6e: {  	_ =	shalt  }
0x6f: {  	_ =	shalt  }
0x70: {  	_ =	shalt  }
0x71: {  	_ =	shalt  }
0x72: {  	_ =	shalt  }
0x73: {  	_ =	shalt  }
0x74: {  	_ =	shalt  }
0x75: {  	_ =	shalt  }
0x76: {  	_ =	shalt  }
0x77: {  	_ =	shalt  }
0x78: {  	_ =	shalt  }
0x79: {  	_ =	shalt  }
0x7a: {  	_ =	shalt  }
0x7b: {  	_ =	shalt  }
0x7c: {  	_ =	shalt  }
0x7d: {  	_ =	shalt  }
0x7e: {  	_ =	shalt  }
0x7f: {  	_ =	shalt  }
0x80: {  	_ =	shalt  }
0x81: {  	_ =	shalt  }
0x82: {  	_ =	shalt  }
0x83: {  	_ =	shalt  }
0x84: {  	_ =	shalt  }
0x85: {  	_ =	shalt  }
0x86: {  	_ =	shalt  }
0x87: {  	_ =	shalt  }
.Lfunc_end0:
.L_simem_size_0:
called_computation_lowered:
.L_overlay_start_0:
0x88: {  	s2 =	sld [smem:$0x3FD9]  }
0x89: {  	s3 =	sld [smem:$0x3FFE];
	_ =	sdelay $0x1  }
0x8a: {  	s1 =	srdreg.scid  }
0x8b: {  	s0 =	sand.u32 $0x1, s1  }
0x8c: {  	s18 =	sshll.u32 s0, $0xA;
	s2 =	sadd.s32 s3, s2  }
0x8d: {  	s2 =	sadd.s32 s2, s18  }
0x8e: {  	[smem:$0x3FC6] =	sst s2  }
0x8f: {  	_ = 	snop  }
0x90: {  	s2 =	sld [smem:$0x3FC9]  }
0x91: {  	s19 =	sld [smem:$0x3FC8]  }
0x92: {  	s4 =	sld [smem:$0x3FD0];
	(tm) =	ssettm $0x1  }
0x93: {  	s5 =	sld [smem:$0x3FFB];
	_ =	sdelay $0x3  }
0x94: {  	_ =	strace s5  }
0x95: {  	s5 =	sld [smem:$0x3FFC];
	_ =	sdelay $0x3  }
0x96: {  	_ =	strace s5  }
0x97: {  	s5 =	sld [smem:$0x3FFD];
	_ =	sdelay $0x3  }
0x98: {  	_ =	strace s5  }
0x99: {  	_ =	strace $0x8FFFFFFF  }
0x9a: {  	s20 =	sld [smem:$0x3FDB];
	_ =	sdelay $0x1  }
0x9b: {  	s6 =	simm.s32 $_scs_section_size  }
0x9c: {  	s7 =	simm.s32 $_size__tile_overlayer_lowered;
	s8 =	simm.s32 $_tile_overlayer_lowered  }
0x9d: {  	s23 =	simm.s32 $0x1BFF;
	s22 =	sshll.u32 s8, $0x1;
	s5 =	sadd.s32 s6, s20  }
0x9e: {  	s9 =	simm.s32 $0x0;
	s21 =	sshll.u32 s7, $0x1;
	s7 =	sadd.s32 s22, s5  }
0x9f: {  	[timem:s9], [sflag:s23] =	dma.local [hbm:s7], s21  }
0xa0: {  	_ =	swait.ge [sflag:s23], s21  }
0xa1: {  	s6 =	ssub.s32 $0x0, s21;
	[sflag:s23] =	ssyncset.done $0x0  }
0xa2: {  	[sflag:s23] =	ssyncadd.s32 s6;
	_ =	sdelay $0x1  }
0xa3: {  	s24 =	simm.s32 $0x1B8B  }
0xa4: {  	_ =	swait.ge [sflag:s24], $0x1  }
0xa5: {  	[sflag:s24] =	ssyncset.done $0x0  }
0xa6: {  	s25 =	simm.s32 $0x1B8E;
	[sflag:s24] =	ssyncadd.s32 $0xFFFFFFFF  }
0xa7: {  	s26 =	simm.s32 $execute0_lowered;
	[smem:$0x3FD2] =	sst s25  }
0xa8: {  	s6 =	sshll.u32 s26, $0x1;
	_ =	strace $0x80000046;
	[dreg:$0x1] =	wrdreg $0xFFFFFFFF  }
0xa9: {  	s28 =	simm.s32 $_size_execute0_lowered;
	s5 =	sadd.s32 s5, s6;
	[dreg:$0x0] =	wrdreg $0x0  }
0xaa: {  	s6 =	sshll.u32 s28, $0x1;
	[dreg:$0x2] =	wrdreg s5  }
0xab: {  	[dreg:$0x3] =	wrdreg s6  }
0xac: {  	[dreg:$0x4] =	wrdreg $0xC0  }
0xad: {  	_ =	task [dreg:s9], $0x5FFFF  }
0xae: {  	[dreg:$0x1] =	wrdreg $0xFFFFFFFF  }
0xaf: {  	[dreg:$0x0] =	wrdreg $0x60  }
0xb0: {  	[dreg:$0x2] =	wrdreg s2  }
0xb1: {  	[dreg:$0x3] =	wrdreg s19  }
0xb2: {  	[dreg:$0x4] =	wrdreg s4  }
0xb3: {  	[dreg:$0x5] =	wrdreg $0x9  }
0xb4: {  	_ =	task.clear_ibuf [dreg:s9], $0x6FFFF;
	_ =	strace $0x90000046  }
0xb5: {  	s29 =	simm.s32 $0x9;
	_ =	strace $0x80000048  }
0xb6: {  	_ =	swait.ge [sflag:s29], $0x1  }
0xb7: {  	[sflag:s29] =	ssyncadd.s32 $0xFFFFFFFF  }
0xb8: {  	_ =	strace $0x90000048  }
0xb9: {  	_ =	sfence  }
0xba: {  	s30 =	sld [smem:$0x0];
	_ =	sdelay $0x2  }
0xbb: {  	s31 =	sshll.u32 s1, $0xD;
	s1 =	sshrl.u32 s1, $0x2  }
0xbc: {  	s3 =	sand.u32 $0x4000, s31;
	s1 =	sadd.s32 s1, s30  }
0xbd: {  	s0 =	sor.u32 s3, s0;
	s1 =	sshll.u32 s1, $0x11  }
0xbe: {  	s0 =	sor.u32 s1, s0  }
0xbf: {  	s0 =	sadd.s32 $0x8F2B, s0  }
0xc0: {  	[sflag:s0] =	ssyncadd.remote.s32 $0x1  }
0xc1: {  	_ =	sfence.sel $0xFFFF  }
0xc2: {  	[dreg:$0x0] =	wrdreg $0xFFFFFFFF;
	(pc) =	sbr.abs _section_cstart, $3  }
0xc3: {  	[dreg:$0x1] =	wrdreg $0xFFFFFFFF  }
0xc4: {  	_ =	task.clear_ibuf [dreg:s9], $0x2FFFF;
	_ =	strace $0x9FFFFFFF  }
0xc5: {  	(tm) =	ssettm $0x7FFFFFFF  }
tec
execute0_lowered:
.L_overlay_start_1:
0x0: {  	(tag) =	ssettag $0x1  }
0x1: {  	s0 =	rddreg [dreg:$0x0]  }
0x2: {  	s2 =	rddreg [dreg:$0x1]  }
0x3: {  	s1 =	rddreg [dreg:$0x2]  }
0x4: {  	s3 =	simm.s32 $0x0;
	s11 =	stileid.u32;
	s4 =	srdreg.scid  }
0x5: {  	s28 =	simm.s32 $0xC200;
	s31 =	simm.s32 $0x14200;
	[smem:$0x7FF] =	sst s3  }
0x6: {  	s5 =	sshll.u32 s11, $0x1;
	s4 =	sand.u32 $0x1, s4;
	s6 =	sshrl.u32 s11, $0x2  }
0x7: {  	s29 =	sand.u32 $0x3, s11;
	s5 =	sand.u32 $0x6, s5;
	s7 =	ssub.s32 $0x2, s4  }
0x8: {  	s24 =	sshll.u32 s6, $0x4;
	_ =	strace $0x80000047;
	s25 =	sshll.u32 s6, $0x16  }
0x9: {  	s6 =	sadd.s32 $0x200, s2;
	s8 =	sor.u32 s4, s5;
	s9 =	sshrl.u32 s7, $0x1  }
0xa: {  	s0 =	sadd.s32 s0, s24;
	s5 =	sadd.s32 $0x100, s2;
	s4 =	sshll.u32 s4, $0x13  }
0xb: {  	s10 =	sshll.u32 s8, $0x8;
	s9 =	ssub.s32 s7, s9;
	s26 =	sshll.u32 s8, $0x13  }
0xc: {  	s0 =	sadd.s32 s10, s0;
	s8 =	sor.u32 s25, s26;
	s10 =	sshll.u32 s29, $0x14  }
0xd: {  	[dreg:$0xa] =	wrdreg s0;
	s8 =	sshrl.u32 s8, $0x3;
	s0 =	sor.u32 s10, s25  }
0xe: {  	s7 =	sadd.s32 $0x300, s2;
	s8 =	sadd.s32 s8, s1;
	s0 =	sor.u32 s4, s0  }
0xf: {  	s30 =	sadd.s32 $0xC000, s8;
	s11 =	sadd.s32 $0xC800, s8;
	s12 =	sadd.s32 $0xD000, s8  }
0x10: {  	s13 =	sadd.s32 $0xD800, s8;
	s14 =	sor.u32 $0x4000, s0;
	[dreg:$0xb] =	wrdreg s30  }
0x11: {  	s15 =	sadd.s32 $0xE000, s8;
	s16 =	sadd.s32 $0xE800, s8;
	[dreg:$0xc] =	wrdreg s11  }
0x12: {  	s17 =	sshrl.u32 s0, $0x3;
	s18 =	sor.u32 $0x8000, s0;
	[dreg:$0xd] =	wrdreg s12  }
0x13: {  	s22 =	sor.u32 $0xC000, s0;
	s24 =	sor.u32 $0x10000, s0;
	[dreg:$0xe] =	wrdreg s13  }
0x14: {  	s0 =	sor.u32 $0x14000, s0;
	s26 =	sadd.s32 $0xF000, s8;
	[dreg:$0xf] =	wrdreg s15  }
0x15: {  	s29 =	sadd.s32 $0xF800, s8;
	s8 =	simm.s32 $0xB200;
	[dreg:$0x10] =	wrdreg s16  }
0x16: {  	s4 =	sshrl.u32 s14, $0x3;
	s19 =	sadd.s32 s17, s1;
	s20 =	sshrl.u32 s18, $0x3  }
0x17: {  	s23 =	sshrl.u32 s22, $0x3;
	s10 =	sshrl.u32 s24, $0x3;
	[dreg:$0x11] =	wrdreg s26  }
0x18: {  	s0 =	sshrl.u32 s0, $0x3;
	[dreg:$0x12] =	wrdreg s29;
	s30 =	smax.u32 s9, $0x1  }
0x19: {  	s18 =	simm.s32 $0x8200;
	s24 =	simm.s32 $0x10200;
	s15 =	simm.s32 $0x11200  }
0x1a: {  	s17 =	simm.s32 $0x1;
	s22 =	simm.s32 $0x7;
	s9 =	simm.s32 $0x8  }
0x1b: {  	s11 =	simm.s32 $0x4;
	s12 =	simm.s32 $0x5;
	s26 =	simm.s32 $0xB  }
0x1c: {  	s13 =	simm.s32 $0x6;
	s14 =	simm.s32 $0xC;
	[dreg:$0x5] =	wrdreg s19  }
0x1d: {  	s16 =	simm.s32 $0x0;
	s4 =	sadd.s32 s4, s1;
	[dreg:$0x13] =	wrdreg s30  }
0x1e: {  	s21 =	sadd.s32 s20, s1;
	s25 =	sadd.s32 s10, s1;
	[dreg:$0x4] =	wrdreg s4  }
0x1f: {  	s0 =	sadd.s32 s0, s1;
	s19 =	simm.s32 $0x8A00;
	[dreg:$0x6] =	wrdreg s21  }
0x20: {  	s20 =	simm.s32 $0x9A00;
	s10 =	simm.s32 $0x9;
	[dreg:$0x8] =	wrdreg s25  }
0x21: {  	v2 =	vlaneseq.u32;
	s4 =	sadd.s32 s23, s1;
	[dreg:$0x9] =	wrdreg s0;
	s0 =	simm.s32 $0x9200  }
0x22: {  	vm0 =	vmmov $0xffff;
	v1 =	vshrl.u32 v2, $0x3;
	s1 =	simm.s32 $0xA200;
	s21 =	simm.s32 $0xAA00;
	s23 =	simm.s32 $0x3  }
0x23: {  	v0 =	vand.u32 $0x7, v2;
	v2 =	vor.u32 $0x8, v2;
	v1 =	vmul.u32 $0x8, v1;
	s25 =	simm.s32 $0xA;
	[dreg:$0x7] =	wrdreg s4;
	s4 =	simm.s32 $0x2  }
.LBB2_1:
0x24: {  	[dreg:$0x14] =	wrdreg s16  }
0x25: {  	s29 =	rddreg [dreg:$0xa];
	s30 =	simm.s32 $0x80;
	s16 =	simm.s32 $0x200  }
0x26: {  	[tilespmem:s3], [sflag:$0xD] =	stream.strided.gather [hbm4b:s29+s30], $0x200, s16, s30, $0x38;
	[tilespmem:$0x18200] =	vst v63  }
0x27: {  	s29 =	simm.s32 $0xD  }
0x28: {  	_ =	swait.ge [sflag:s29], $0x200  }
0x29: {  	[sflag:s29] =	ssyncset.done $0x0  }
0x2a: {  	[sflag:s29] =	ssyncadd.s32 $0xFFFFFE00  }
0x2b: {  	v3 =	vld [tilespmem:$0x0];
	_ =	sdelay $0x4  }
0x2c: {  	v4 =	vshll.u32 v3, $0x3  }
0x2d: {  	v3 =	vand.u32 $0x7, v3;
	v4 =	vand.u32 $0xFFFFFFC0, v4  }
0x2e: {  	v3 =	vor.u32 v3, v4  }
0x2f: {  	v4 =	vperm.xlane v3, v0;
	_ =	sdelay $0x1  }
0x30: {  	v4 =	vadd.s32 v1, v4;
	_ =	sdelay $0x4  }
0x31: {  	[tilespmem:s16], [sflag:$0x1] =	stream.indirect_vreg.gather [hbm4b:s2+s3], $0x80, v4, vm0, $0xb8;
	[tilespmem:$0x18200] =	vst v63  }
0x32: {  	s29 =	simm.s32 $0xA00;
	v3 =	vperm.xlane v3, v2  }
0x33: {  	[tilespmem:s29], [sflag:$0x1] =	stream.indirect_vreg.gather [hbm4b:s5+s3], $0x80, v4, vm0, $0xb8;
	[tilespmem:$0x18200] =	vst v63  }
0x34: {  	v3 =	vadd.s32 v1, v3;
	s29 =	simm.s32 $0x1200  }
0x35: {  	[tilespmem:s29], [sflag:$0x1] =	stream.indirect_vreg.gather [hbm4b:s6+s3], $0x80, v4, vm0, $0xb8;
	[tilespmem:$0x18200] =	vst v63  }
0x36: {  	s29 =	simm.s32 $0x1A00  }
0x37: {  	[tilespmem:s29], [sflag:$0x1] =	stream.indirect_vreg.gather [hbm4b:s7+s3], $0x80, v4, vm0, $0xb8;
	[tilespmem:$0x18200] =	vst v63  }
0x38: {  	s29 =	simm.s32 $0x2200  }
0x39: {  	[tilespmem:s29], [sflag:$0x1] =	stream.indirect_vreg.gather [hbm4b:s2+s3], $0x80, v3, vm0, $0xb8;
	[tilespmem:$0x18200] =	vst v63  }
0x3a: {  	s29 =	simm.s32 $0x2A00  }
0x3b: {  	[tilespmem:s29], [sflag:$0x1] =	stream.indirect_vreg.gather [hbm4b:s5+s3], $0x80, v3, vm0, $0xb8;
	[tilespmem:$0x18200] =	vst v63  }
0x3c: {  	s29 =	simm.s32 $0x3200  }
0x3d: {  	[tilespmem:s29], [sflag:$0x1] =	stream.indirect_vreg.gather [hbm4b:s6+s3], $0x80, v3, vm0, $0xb8;
	[tilespmem:$0x18200] =	vst v63  }
0x3e: {  	s29 =	simm.s32 $0x3A00  }
0x3f: {  	[tilespmem:s29], [sflag:$0x1] =	stream.indirect_vreg.gather [hbm4b:s7+s3], $0x80, v3, vm0, $0xb8;
	[tilespmem:$0x18200] =	vst v63  }
0x40: {  	v3 =	vld [tilespmem:$0x10];
	_ =	sdelay $0x4  }
0x41: {  	v59 =	vshll.u32 v3, $0x3  }
0x42: {  	v3 =	vand.u32 $0x7, v3;
	v4 =	vand.u32 $0xFFFFFFC0, v59  }
0x43: {  	v3 =	vor.u32 v3, v4  }
0x44: {  	v4 =	vperm.xlane v3, v0;
	_ =	sdelay $0x1  }
0x45: {  	v4 =	vadd.s32 v1, v4;
	_ =	sdelay $0x3  }
0x46: {  	s16 =	simm.s32 $0x4200  }
0x47: {  	[tilespmem:s16], [sflag:$0x2] =	stream.indirect_vreg.gather [hbm4b:s2+s3], $0x80, v4, vm0, $0xb8;
	[tilespmem:$0x18200] =	vst v63  }
0x48: {  	s29 =	simm.s32 $0x4A00;
	v3 =	vperm.xlane v3, v2  }
0x49: {  	[tilespmem:s29], [sflag:$0x2] =	stream.indirect_vreg.gather [hbm4b:s5+s3], $0x80, v4, vm0, $0xb8;
	[tilespmem:$0x18200] =	vst v63  }
0x4a: {  	v3 =	vadd.s32 v1, v3;
	s29 =	simm.s32 $0x5200  }
0x4b: {  	[tilespmem:s29], [sflag:$0x2] =	stream.indirect_vreg.gather [hbm4b:s6+s3], $0x80, v4, vm0, $0xb8;
	[tilespmem:$0x18200] =	vst v63  }
0x4c: {  	s29 =	simm.s32 $0x5A00  }
0x4d: {  	[tilespmem:s29], [sflag:$0x2] =	stream.indirect_vreg.gather [hbm4b:s7+s3], $0x80, v4, vm0, $0xb8;
	[tilespmem:$0x18200] =	vst v63  }
0x4e: {  	s29 =	simm.s32 $0x6200  }
0x4f: {  	[tilespmem:s29], [sflag:$0x2] =	stream.indirect_vreg.gather [hbm4b:s2+s3], $0x80, v3, vm0, $0xb8;
	[tilespmem:$0x18200] =	vst v63  }
0x50: {  	s29 =	simm.s32 $0x6A00  }
0x51: {  	[tilespmem:s29], [sflag:$0x2] =	stream.indirect_vreg.gather [hbm4b:s5+s3], $0x80, v3, vm0, $0xb8;
	[tilespmem:$0x18200] =	vst v63  }
0x52: {  	s29 =	simm.s32 $0x7200  }
0x53: {  	[tilespmem:s29], [sflag:$0x2] =	stream.indirect_vreg.gather [hbm4b:s6+s3], $0x80, v3, vm0, $0xb8;
	[tilespmem:$0x18200] =	vst v63  }
0x54: {  	s29 =	simm.s32 $0x7A00  }
0x55: {  	[tilespmem:s29], [sflag:$0x2] =	stream.indirect_vreg.gather [hbm4b:s7+s3], $0x80, v3, vm0, $0xb8;
	[tilespmem:$0x18200] =	vst v63  }
0x56: {  	v3 =	vld [tilespmem:$0x20];
	_ =	sdelay $0x4  }
0x57: {  	v60 =	vshll.u32 v3, $0x3  }
0x58: {  	v3 =	vand.u32 $0x7, v3;
	v4 =	vand.u32 $0xFFFFFFC0, v60  }
0x59: {  	v3 =	vor.u32 v3, v4  }
0x5a: {  	v4 =	vperm.xlane v3, v0;
	_ =	sdelay $0x1  }
0x5b: {  	v4 =	vadd.s32 v1, v4;
	_ =	sdelay $0x4  }
0x5c: {  	[tilespmem:s18], [sflag:$0x3] =	stream.indirect_vreg.gather [hbm4b:s2+s3], $0x80, v4, vm0, $0xb8;
	[tilespmem:$0x18200] =	vst v63  }
0x5d: {  	v3 =	vperm.xlane v3, v2  }
0x5e: {  	[tilespmem:s19], [sflag:$0x3] =	stream.indirect_vreg.gather [hbm4b:s5+s3], $0x80, v4, vm0, $0xb8;
	[tilespmem:$0x18200] =	vst v63  }
0x5f: {  	v3 =	vadd.s32 v1, v3  }
0x60: {  	[tilespmem:s0], [sflag:$0x3] =	stream.indirect_vreg.gather [hbm4b:s6+s3], $0x80, v4, vm0, $0xb8;
	[tilespmem:$0x18200] =	vst v63  }
0x61: {  	_ = 	snop  }
0x62: {  	[tilespmem:s20], [sflag:$0x3] =	stream.indirect_vreg.gather [hbm4b:s7+s3], $0x80, v4, vm0, $0xb8;
	[tilespmem:$0x18200] =	vst v63  }
0x63: {  	_ = 	snop  }
0x64: {  	[tilespmem:s1], [sflag:$0x3] =	stream.indirect_vreg.gather [hbm4b:s2+s3], $0x80, v3, vm0, $0xb8;
	[tilespmem:$0x18200] =	vst v63  }
0x65: {  	_ = 	snop  }
0x66: {  	[tilespmem:s21], [sflag:$0x3] =	stream.indirect_vreg.gather [hbm4b:s5+s3], $0x80, v3, vm0, $0xb8;
	[tilespmem:$0x18200] =	vst v63  }
0x67: {  	_ = 	snop  }
0x68: {  	[tilespmem:s8], [sflag:$0x3] =	stream.indirect_vreg.gather [hbm4b:s6+s3], $0x80, v3, vm0, $0xb8;
	[tilespmem:$0x18200] =	vst v63  }
0x69: {  	s1 =	simm.s32 $0xBA00  }
0x6a: {  	[tilespmem:s1], [sflag:$0x3] =	stream.indirect_vreg.gather [hbm4b:s7+s3], $0x80, v3, vm0, $0xb8;
	[tilespmem:$0x18200] =	vst v63  }
0x6b: {  	v3 =	vld [tilespmem:$0x30];
	_ =	sdelay $0x4  }
0x6c: {  	v61 =	vshll.u32 v3, $0x3  }
0x6d: {  	v3 =	vand.u32 $0x7, v3;
	v4 =	vand.u32 $0xFFFFFFC0, v61  }
0x6e: {  	v3 =	vor.u32 v3, v4  }
0x6f: {  	v4 =	vperm.xlane v3, v0;
	_ =	sdelay $0x1  }
0x70: {  	v4 =	vadd.s32 v1, v4;
	_ =	sdelay $0x4  }
0x71: {  	[tilespmem:s28], [sflag:$0x4] =	stream.indirect_vreg.gather [hbm4b:s2+s3], $0x80, v4, vm0, $0xb8;
	[tilespmem:$0x18200] =	vst v63  }
0x72: {  	s8 =	simm.s32 $0xCA00;
	v3 =	vperm.xlane v3, v2  }
0x73: {  	[tilespmem:s8], [sflag:$0x4] =	stream.indirect_vreg.gather [hbm4b:s5+s3], $0x80, v4, vm0, $0xb8;
	[tilespmem:$0x18200] =	vst v63  }
0x74: {  	s16 =	simm.s32 $0xD200;
	v3 =	vadd.s32 v1, v3  }
0x75: {  	[tilespmem:s16], [sflag:$0x4] =	stream.indirect_vreg.gather [hbm4b:s6+s3], $0x80, v4, vm0, $0xb8;
	[tilespmem:$0x18200] =	vst v63  }
0x76: {  	s18 =	simm.s32 $0xDA00  }
0x77: {  	[tilespmem:s18], [sflag:$0x4] =	stream.indirect_vreg.gather [hbm4b:s7+s3], $0x80, v4, vm0, $0xb8;
	[tilespmem:$0x18200] =	vst v63  }
0x78: {  	s19 =	simm.s32 $0xE200  }
0x79: {  	[tilespmem:s19], [sflag:$0x4] =	stream.indirect_vreg.gather [hbm4b:s2+s3], $0x80, v3, vm0, $0xb8;
	[tilespmem:$0x18200] =	vst v63  }
0x7a: {  	s20 =	simm.s32 $0xEA00  }
0x7b: {  	[tilespmem:s20], [sflag:$0x4] =	stream.indirect_vreg.gather [hbm4b:s5+s3], $0x80, v3, vm0, $0xb8;
	[tilespmem:$0x18200] =	vst v63  }
0x7c: {  	s21 =	simm.s32 $0xF200  }
0x7d: {  	[tilespmem:s21], [sflag:$0x4] =	stream.indirect_vreg.gather [hbm4b:s6+s3], $0x80, v3, vm0, $0xb8;
	[tilespmem:$0x18200] =	vst v63  }
0x7e: {  	s28 =	simm.s32 $0xFA00  }
0x7f: {  	[tilespmem:s28], [sflag:$0x4] =	stream.indirect_vreg.gather [hbm4b:s7+s3], $0x80, v3, vm0, $0xb8;
	[tilespmem:$0x18200] =	vst v63  }
0x80: {  	v3 =	vld [tilespmem:$0x40];
	_ =	sdelay $0x4  }
0x81: {  	v62 =	vshll.u32 v3, $0x3  }
0x82: {  	v3 =	vand.u32 $0x7, v3;
	v4 =	vand.u32 $0xFFFFFFC0, v62  }
0x83: {  	v3 =	vor.u32 v3, v4  }
0x84: {  	v4 =	vperm.xlane v3, v0;
	_ =	sdelay $0x1  }
0x85: {  	v4 =	vadd.s32 v1, v4;
	_ =	sdelay $0x4  }
0x86: {  	[tilespmem:s24], [sflag:$0x5] =	stream.indirect_vreg.gather [hbm4b:s2+s3], $0x80, v4, vm0, $0xb8;
	[tilespmem:$0x18200] =	vst v63  }
0x87: {  	s1 =	simm.s32 $0x10A00;
	v3 =	vperm.xlane v3, v2  }
0x88: {  	[tilespmem:s1], [sflag:$0x5] =	stream.indirect_vreg.gather [hbm4b:s5+s3], $0x80, v4, vm0, $0xb8;
	[tilespmem:$0x18200] =	vst v63  }
0x89: {  	v3 =	vadd.s32 v1, v3  }
0x8a: {  	[tilespmem:s15], [sflag:$0x5] =	stream.indirect_vreg.gather [hbm4b:s6+s3], $0x80, v4, vm0, $0xb8;
	[tilespmem:$0x18200] =	vst v63  }
0x8b: {  	s8 =	simm.s32 $0x11A00  }
0x8c: {  	[tilespmem:s8], [sflag:$0x5] =	stream.indirect_vreg.gather [hbm4b:s7+s3], $0x80, v4, vm0, $0xb8;
	[tilespmem:$0x18200] =	vst v63  }
0x8d: {  	s15 =	simm.s32 $0x12200  }
0x8e: {  	[tilespmem:s15], [sflag:$0x5] =	stream.indirect_vreg.gather [hbm4b:s2+s3], $0x80, v3, vm0, $0xb8;
	[tilespmem:$0x18200] =	vst v63  }
0x8f: {  	s16 =	simm.s32 $0x12A00  }
0x90: {  	[tilespmem:s16], [sflag:$0x5] =	stream.indirect_vreg.gather [hbm4b:s5+s3], $0x80, v3, vm0, $0xb8;
	[tilespmem:$0x18200] =	vst v63  }
0x91: {  	s18 =	simm.s32 $0x13200  }
0x92: {  	[tilespmem:s18], [sflag:$0x5] =	stream.indirect_vreg.gather [hbm4b:s6+s3], $0x80, v3, vm0, $0xb8;
	[tilespmem:$0x18200] =	vst v63  }
0x93: {  	s19 =	simm.s32 $0x13A00  }
0x94: {  	[tilespmem:s19], [sflag:$0x5] =	stream.indirect_vreg.gather [hbm4b:s7+s3], $0x80, v3, vm0, $0xb8;
	[tilespmem:$0x18200] =	vst v63  }
0x95: {  	v3 =	vld [tilespmem:$0x50];
	_ =	sdelay $0x4  }
0x96: {  	v63 =	vshll.u32 v3, $0x3  }
0x97: {  	v3 =	vand.u32 $0x7, v3;
	v4 =	vand.u32 $0xFFFFFFC0, v63  }
0x98: {  	v3 =	vor.u32 v3, v4  }
0x99: {  	v4 =	vperm.xlane v3, v0;
	_ =	sdelay $0x1  }
0x9a: {  	v4 =	vadd.s32 v1, v4;
	_ =	sdelay $0x4  }
0x9b: {  	[tilespmem:s31], [sflag:$0x6] =	stream.indirect_vreg.gather [hbm4b:s2+s3], $0x80, v4, vm0, $0xb8;
	[tilespmem:$0x18200] =	vst v63  }
0x9c: {  	s20 =	simm.s32 $0x14A00;
	v3 =	vperm.xlane v3, v2  }
0x9d: {  	[tilespmem:s20], [sflag:$0x6] =	stream.indirect_vreg.gather [hbm4b:s5+s3], $0x80, v4, vm0, $0xb8;
	[tilespmem:$0x18200] =	vst v63  }
0x9e: {  	s21 =	simm.s32 $0x15200;
	v3 =	vadd.s32 v1, v3  }
0x9f: {  	[tilespmem:s21], [sflag:$0x6] =	stream.indirect_vreg.gather [hbm4b:s6+s3], $0x80, v4, vm0, $0xb8;
	[tilespmem:$0x18200] =	vst v63  }
0xa0: {  	s24 =	simm.s32 $0x15A00  }
0xa1: {  	[tilespmem:s24], [sflag:$0x6] =	stream.indirect_vreg.gather [hbm4b:s7+s3], $0x80, v4, vm0, $0xb8;
	[tilespmem:$0x18200] =	vst v63  }
0xa2: {  	s28 =	simm.s32 $0x16200  }
0xa3: {  	[tilespmem:s28], [sflag:$0x6] =	stream.indirect_vreg.gather [hbm4b:s2+s3], $0x80, v3, vm0, $0xb8;
	[tilespmem:$0x18200] =	vst v63  }
0xa4: {  	s30 =	simm.s32 $0x0;
	s29 =	simm.s32 $0xB0;
	s31 =	simm.s32 $0x16A00  }
0xa5: {  	[tilespmem:s31], [sflag:$0x6] =	stream.indirect_vreg.gather [hbm4b:s5+s3], $0x80, v3, vm0, $0xb8;
	[tilespmem:$0x18200] =	vst v63  }
0xa6: {  	s0 =	simm.s32 $0x17200;
	s1 =	simm.s32 $0xA200;
	s8 =	simm.s32 $0xB200  }
0xa7: {  	[tilespmem:s0], [sflag:$0x6] =	stream.indirect_vreg.gather [hbm4b:s6+s3], $0x80, v3, vm0, $0xb8;
	[tilespmem:$0x18200] =	vst v63  }
0xa8: {  	s19 =	simm.s32 $0x17A00;
	s20 =	simm.s32 $0x9A00;
	s21 =	simm.s32 $0xAA00  }
0xa9: {  	[tilespmem:s19], [sflag:$0x6] =	stream.indirect_vreg.gather [hbm4b:s7+s3], $0x80, v3, vm0, $0xb8;
	[tilespmem:$0x18200] =	vst v63  }
.LBB2_2:
0xaa: {  	_ =	swait.ge [sflag:s17], $0x4000  }
0xab: {  	s31 =	rddreg [dreg:$0x5];
	[sflag:s17] =	ssyncset.done $0x0  }
0xac: {  	s18 =	simm.s32 $0x200;
	[sflag:s17] =	ssyncadd.s32 $0xFFFFC000;
	s31 =	sadd.s32 s30, s31  }
0xad: {  	[hbm4b:s31+s3] =	stream.linear.scatter [tilespmem:s18], [sflag:$0x7], $0x4000, $0x38;
	[tilespmem:$0x18200] =	vst v63  }
0xae: {  	_ =	swait.ge [sflag:s22], $0x4000  }
0xaf: {  	[sflag:s22] =	ssyncset.done $0x0  }
0xb0: {  	[sflag:s22] =	ssyncadd.s32 $0xFFFFC000  }
0xb1: {  	v3 =	vld [tilespmem:s29+$0xFFFFFFB0];
	_ =	sdelay $0x4  }
0xb2: {  	v4 =	vshll.u32 v3, $0x3  }
0xb3: {  	v3 =	vand.u32 $0x7, v3;
	v4 =	vand.u32 $0xFFFFFFC0, v4  }
0xb4: {  	v3 =	vor.u32 v3, v4  }
0xb5: {  	v4 =	vperm.xlane v3, v0;
	_ =	sdelay $0x1  }
0xb6: {  	v4 =	vadd.s32 v1, v4;
	_ =	sdelay $0x4  }
0xb7: {  	[tilespmem:s18], [sflag:$0x1] =	stream.indirect_vreg.gather [hbm4b:s2+s3], $0x80, v4, vm0, $0xb8;
	[tilespmem:$0x18200] =	vst v63  }
0xb8: {  	s31 =	simm.s32 $0xA00;
	v3 =	vperm.xlane v3, v2  }
0xb9: {  	[tilespmem:s31], [sflag:$0x1] =	stream.indirect_vreg.gather [hbm4b:s5+s3], $0x80, v4, vm0, $0xb8;
	[tilespmem:$0x18200] =	vst v63  }
0xba: {  	v3 =	vadd.s32 v1, v3;
	s31 =	simm.s32 $0x1200  }
0xbb: {  	[tilespmem:s31], [sflag:$0x1] =	stream.indirect_vreg.gather [hbm4b:s6+s3], $0x80, v4, vm0, $0xb8;
	[tilespmem:$0x18200] =	vst v63  }
0xbc: {  	s31 =	simm.s32 $0x1A00  }
0xbd: {  	[tilespmem:s31], [sflag:$0x1] =	stream.indirect_vreg.gather [hbm4b:s7+s3], $0x80, v4, vm0, $0xb8;
	[tilespmem:$0x18200] =	vst v63  }
0xbe: {  	s31 =	simm.s32 $0x2200  }
0xbf: {  	[tilespmem:s31], [sflag:$0x1] =	stream.indirect_vreg.gather [hbm4b:s2+s3], $0x80, v3, vm0, $0xb8;
	[tilespmem:$0x18200] =	vst v63  }
0xc0: {  	s31 =	simm.s32 $0x2A00  }
0xc1: {  	[tilespmem:s31], [sflag:$0x1] =	stream.indirect_vreg.gather [hbm4b:s5+s3], $0x80, v3, vm0, $0xb8;
	[tilespmem:$0x18200] =	vst v63  }
0xc2: {  	s31 =	simm.s32 $0x3200  }
0xc3: {  	[tilespmem:s31], [sflag:$0x1] =	stream.indirect_vreg.gather [hbm4b:s6+s3], $0x80, v3, vm0, $0xb8;
	[tilespmem:$0x18200] =	vst v63  }
0xc4: {  	s31 =	simm.s32 $0x3A00  }
0xc5: {  	[tilespmem:s31], [sflag:$0x1] =	stream.indirect_vreg.gather [hbm4b:s7+s3], $0x80, v3, vm0, $0xb8;
	[tilespmem:$0x18200] =	vst v63  }
0xc6: {  	_ =	swait.ge [sflag:s4], $0x4000  }
0xc7: {  	s31 =	rddreg [dreg:$0x4];
	[sflag:s4] =	ssyncset.done $0x0  }
0xc8: {  	s16 =	simm.s32 $0x4200;
	[sflag:s4] =	ssyncadd.s32 $0xFFFFC000;
	s31 =	sadd.s32 s30, s31  }
0xc9: {  	[hbm4b:s31+s3] =	stream.linear.scatter [tilespmem:s16], [sflag:$0x8], $0x4000, $0x38;
	[tilespmem:$0x18200] =	vst v63  }
0xca: {  	_ =	swait.ge [sflag:s9], $0x4000  }
0xcb: {  	[sflag:s9] =	ssyncset.done $0x0  }
0xcc: {  	[sflag:s9] =	ssyncadd.s32 $0xFFFFC000  }
0xcd: {  	v3 =	vld [tilespmem:s29+$0xFFFFFFC0];
	_ =	sdelay $0x4  }
0xce: {  	v59 =	vshll.u32 v3, $0x3  }
0xcf: {  	v3 =	vand.u32 $0x7, v3;
	v4 =	vand.u32 $0xFFFFFFC0, v59  }
0xd0: {  	v3 =	vor.u32 v3, v4  }
0xd1: {  	v4 =	vperm.xlane v3, v0;
	_ =	sdelay $0x1  }
0xd2: {  	v4 =	vadd.s32 v1, v4;
	_ =	sdelay $0x4  }
0xd3: {  	[tilespmem:s16], [sflag:$0x2] =	stream.indirect_vreg.gather [hbm4b:s2+s3], $0x80, v4, vm0, $0xb8;
	[tilespmem:$0x18200] =	vst v63  }
0xd4: {  	s31 =	simm.s32 $0x4A00;
	v3 =	vperm.xlane v3, v2  }
0xd5: {  	[tilespmem:s31], [sflag:$0x2] =	stream.indirect_vreg.gather [hbm4b:s5+s3], $0x80, v4, vm0, $0xb8;
	[tilespmem:$0x18200] =	vst v63  }
0xd6: {  	v3 =	vadd.s32 v1, v3;
	s31 =	simm.s32 $0x5200  }
0xd7: {  	[tilespmem:s31], [sflag:$0x2] =	stream.indirect_vreg.gather [hbm4b:s6+s3], $0x80, v4, vm0, $0xb8;
	[tilespmem:$0x18200] =	vst v63  }
0xd8: {  	s31 =	simm.s32 $0x5A00  }
0xd9: {  	[tilespmem:s31], [sflag:$0x2] =	stream.indirect_vreg.gather [hbm4b:s7+s3], $0x80, v4, vm0, $0xb8;
	[tilespmem:$0x18200] =	vst v63  }
0xda: {  	s31 =	simm.s32 $0x6200  }
0xdb: {  	[tilespmem:s31], [sflag:$0x2] =	stream.indirect_vreg.gather [hbm4b:s2+s3], $0x80, v3, vm0, $0xb8;
	[tilespmem:$0x18200] =	vst v63  }
0xdc: {  	s31 =	simm.s32 $0x6A00  }
0xdd: {  	[tilespmem:s31], [sflag:$0x2] =	stream.indirect_vreg.gather [hbm4b:s5+s3], $0x80, v3, vm0, $0xb8;
	[tilespmem:$0x18200] =	vst v63  }
0xde: {  	s31 =	simm.s32 $0x7200  }
0xdf: {  	[tilespmem:s31], [sflag:$0x2] =	stream.indirect_vreg.gather [hbm4b:s6+s3], $0x80, v3, vm0, $0xb8;
	[tilespmem:$0x18200] =	vst v63  }
0xe0: {  	s31 =	simm.s32 $0x7A00  }
0xe1: {  	[tilespmem:s31], [sflag:$0x2] =	stream.indirect_vreg.gather [hbm4b:s7+s3], $0x80, v3, vm0, $0xb8;
	[tilespmem:$0x18200] =	vst v63  }
0xe2: {  	_ =	swait.ge [sflag:s23], $0x4000  }
0xe3: {  	s31 =	rddreg [dreg:$0x6];
	[sflag:s23] =	ssyncset.done $0x0  }
0xe4: {  	s28 =	simm.s32 $0x8200;
	[sflag:s23] =	ssyncadd.s32 $0xFFFFC000;
	s31 =	sadd.s32 s30, s31  }
0xe5: {  	[hbm4b:s31+s3] =	stream.linear.scatter [tilespmem:s28], [sflag:$0x9], $0x4000, $0x38;
	[tilespmem:$0x18200] =	vst v63  }
0xe6: {  	_ =	swait.ge [sflag:s10], $0x4000  }
0xe7: {  	[sflag:s10] =	ssyncset.done $0x0  }
0xe8: {  	[sflag:s10] =	ssyncadd.s32 $0xFFFFC000  }
0xe9: {  	v3 =	vld [tilespmem:s29+$0xFFFFFFD0];
	_ =	sdelay $0x4  }
0xea: {  	v60 =	vshll.u32 v3, $0x3  }
0xeb: {  	v3 =	vand.u32 $0x7, v3;
	v4 =	vand.u32 $0xFFFFFFC0, v60  }
0xec: {  	v3 =	vor.u32 v3, v4  }
0xed: {  	v4 =	vperm.xlane v3, v0;
	_ =	sdelay $0x1  }
0xee: {  	v4 =	vadd.s32 v1, v4;
	_ =	sdelay $0x4  }
0xef: {  	[tilespmem:s28], [sflag:$0x3] =	stream.indirect_vreg.gather [hbm4b:s2+s3], $0x80, v4, vm0, $0xb8;
	[tilespmem:$0x18200] =	vst v63  }
0xf0: {  	s15 =	simm.s32 $0x8A00;
	v3 =	vperm.xlane v3, v2  }
0xf1: {  	[tilespmem:s15], [sflag:$0x3] =	stream.indirect_vreg.gather [hbm4b:s5+s3], $0x80, v4, vm0, $0xb8;
	[tilespmem:$0x18200] =	vst v63  }
0xf2: {  	s24 =	simm.s32 $0x9200;
	v3 =	vadd.s32 v1, v3  }
0xf3: {  	[tilespmem:s24], [sflag:$0x3] =	stream.indirect_vreg.gather [hbm4b:s6+s3], $0x80, v4, vm0, $0xb8;
	[tilespmem:$0x18200] =	vst v63  }
0xf4: {  	_ = 	snop  }
0xf5: {  	[tilespmem:s20], [sflag:$0x3] =	stream.indirect_vreg.gather [hbm4b:s7+s3], $0x80, v4, vm0, $0xb8;
	[tilespmem:$0x18200] =	vst v63  }
0xf6: {  	_ = 	snop  }
0xf7: {  	[tilespmem:s1], [sflag:$0x3] =	stream.indirect_vreg.gather [hbm4b:s2+s3], $0x80, v3, vm0, $0xb8;
	[tilespmem:$0x18200] =	vst v63  }
0xf8: {  	_ = 	snop  }
0xf9: {  	[tilespmem:s21], [sflag:$0x3] =	stream.indirect_vreg.gather [hbm4b:s5+s3], $0x80, v3, vm0, $0xb8;
	[tilespmem:$0x18200] =	vst v63  }
0xfa: {  	_ = 	snop  }
0xfb: {  	[tilespmem:s8], [sflag:$0x3] =	stream.indirect_vreg.gather [hbm4b:s6+s3], $0x80, v3, vm0, $0xb8;
	[tilespmem:$0x18200] =	vst v63  }
0xfc: {  	s16 =	simm.s32 $0xBA00  }
0xfd: {  	[tilespmem:s16], [sflag:$0x3] =	stream.indirect_vreg.gather [hbm4b:s7+s3], $0x80, v3, vm0, $0xb8;
	[tilespmem:$0x18200] =	vst v63  }
0xfe: {  	_ =	swait.ge [sflag:s11], $0x4000  }
0xff: {  	s31 =	rddreg [dreg:$0x7];
	[sflag:s11] =	ssyncset.done $0x0  }
0x100: {  	s24 =	simm.s32 $0xC200;
	[sflag:s11] =	ssyncadd.s32 $0xFFFFC000;
	s31 =	sadd.s32 s30, s31  }
0x101: {  	[hbm4b:s31+s3] =	stream.linear.scatter [tilespmem:s24], [sflag:$0xA], $0x4000, $0x38;
	[tilespmem:$0x18200] =	vst v63  }
0x102: {  	_ =	swait.ge [sflag:s25], $0x4000  }
0x103: {  	[sflag:s25] =	ssyncset.done $0x0  }
0x104: {  	[sflag:s25] =	ssyncadd.s32 $0xFFFFC000  }
0x105: {  	v3 =	vld [tilespmem:s29+$0xFFFFFFE0];
	_ =	sdelay $0x4  }
0x106: {  	v61 =	vshll.u32 v3, $0x3  }
0x107: {  	v3 =	vand.u32 $0x7, v3;
	v4 =	vand.u32 $0xFFFFFFC0, v61  }
0x108: {  	v3 =	vor.u32 v3, v4  }
0x109: {  	v4 =	vperm.xlane v3, v0;
	_ =	sdelay $0x1  }
0x10a: {  	v4 =	vadd.s32 v1, v4;
	_ =	sdelay $0x4  }
0x10b: {  	[tilespmem:s24], [sflag:$0x4] =	stream.indirect_vreg.gather [hbm4b:s2+s3], $0x80, v4, vm0, $0xb8;
	[tilespmem:$0x18200] =	vst v63  }
0x10c: {  	v3 =	vperm.xlane v3, v2;
	s24 =	simm.s32 $0xCA00  }
0x10d: {  	[tilespmem:s24], [sflag:$0x4] =	stream.indirect_vreg.gather [hbm4b:s5+s3], $0x80, v4, vm0, $0xb8;
	[tilespmem:$0x18200] =	vst v63  }
0x10e: {  	s16 =	simm.s32 $0xD200;
	v3 =	vadd.s32 v1, v3  }
0x10f: {  	[tilespmem:s16], [sflag:$0x4] =	stream.indirect_vreg.gather [hbm4b:s6+s3], $0x80, v4, vm0, $0xb8;
	[tilespmem:$0x18200] =	vst v63  }
0x110: {  	s24 =	simm.s32 $0xDA00  }
0x111: {  	[tilespmem:s24], [sflag:$0x4] =	stream.indirect_vreg.gather [hbm4b:s7+s3], $0x80, v4, vm0, $0xb8;
	[tilespmem:$0x18200] =	vst v63  }
0x112: {  	s16 =	simm.s32 $0xE200  }
0x113: {  	[tilespmem:s16], [sflag:$0x4] =	stream.indirect_vreg.gather [hbm4b:s2+s3], $0x80, v3, vm0, $0xb8;
	[tilespmem:$0x18200] =	vst v63  }
0x114: {  	s24 =	simm.s32 $0xEA00  }
0x115: {  	[tilespmem:s24], [sflag:$0x4] =	stream.indirect_vreg.gather [hbm4b:s5+s3], $0x80, v3, vm0, $0xb8;
	[tilespmem:$0x18200] =	vst v63  }
0x116: {  	s16 =	simm.s32 $0xF200  }
0x117: {  	[tilespmem:s16], [sflag:$0x4] =	stream.indirect_vreg.gather [hbm4b:s6+s3], $0x80, v3, vm0, $0xb8;
	[tilespmem:$0x18200] =	vst v63  }
0x118: {  	s24 =	simm.s32 $0xFA00  }
0x119: {  	[tilespmem:s24], [sflag:$0x4] =	stream.indirect_vreg.gather [hbm4b:s7+s3], $0x80, v3, vm0, $0xb8;
	[tilespmem:$0x18200] =	vst v63  }
0x11a: {  	_ =	swait.ge [sflag:s12], $0x4000  }
0x11b: {  	s31 =	rddreg [dreg:$0x8];
	[sflag:s12] =	ssyncset.done $0x0  }
0x11c: {  	s16 =	simm.s32 $0x10200;
	[sflag:s12] =	ssyncadd.s32 $0xFFFFC000;
	s31 =	sadd.s32 s30, s31  }
0x11d: {  	[hbm4b:s31+s3] =	stream.linear.scatter [tilespmem:s16], [sflag:$0xB], $0x4000, $0x38;
	[tilespmem:$0x18200] =	vst v63  }
0x11e: {  	_ =	swait.ge [sflag:s26], $0x4000  }
0x11f: {  	[sflag:s26] =	ssyncset.done $0x0  }
0x120: {  	[sflag:s26] =	ssyncadd.s32 $0xFFFFC000  }
0x121: {  	v3 =	vld [tilespmem:s29+$0xFFFFFFF0];
	_ =	sdelay $0x4  }
0x122: {  	v62 =	vshll.u32 v3, $0x3  }
0x123: {  	v3 =	vand.u32 $0x7, v3;
	v4 =	vand.u32 $0xFFFFFFC0, v62  }
0x124: {  	v3 =	vor.u32 v3, v4  }
0x125: {  	v4 =	vperm.xlane v3, v0;
	_ =	sdelay $0x1  }
0x126: {  	v4 =	vadd.s32 v1, v4;
	_ =	sdelay $0x4  }
0x127: {  	[tilespmem:s16], [sflag:$0x5] =	stream.indirect_vreg.gather [hbm4b:s2+s3], $0x80, v4, vm0, $0xb8;
	[tilespmem:$0x18200] =	vst v63  }
0x128: {  	v3 =	vperm.xlane v3, v2;
	s16 =	simm.s32 $0x10A00  }
0x129: {  	[tilespmem:s16], [sflag:$0x5] =	stream.indirect_vreg.gather [hbm4b:s5+s3], $0x80, v4, vm0, $0xb8;
	[tilespmem:$0x18200] =	vst v63  }
0x12a: {  	s15 =	simm.s32 $0x11200;
	v3 =	vadd.s32 v1, v3  }
0x12b: {  	[tilespmem:s15], [sflag:$0x5] =	stream.indirect_vreg.gather [hbm4b:s6+s3], $0x80, v4, vm0, $0xb8;
	[tilespmem:$0x18200] =	vst v63  }
0x12c: {  	s16 =	simm.s32 $0x11A00  }
0x12d: {  	[tilespmem:s16], [sflag:$0x5] =	stream.indirect_vreg.gather [hbm4b:s7+s3], $0x80, v4, vm0, $0xb8;
	[tilespmem:$0x18200] =	vst v63  }
0x12e: {  	s16 =	simm.s32 $0x12200  }
0x12f: {  	[tilespmem:s16], [sflag:$0x5] =	stream.indirect_vreg.gather [hbm4b:s2+s3], $0x80, v3, vm0, $0xb8;
	[tilespmem:$0x18200] =	vst v63  }
0x130: {  	s16 =	simm.s32 $0x12A00  }
0x131: {  	[tilespmem:s16], [sflag:$0x5] =	stream.indirect_vreg.gather [hbm4b:s5+s3], $0x80, v3, vm0, $0xb8;
	[tilespmem:$0x18200] =	vst v63  }
0x132: {  	s16 =	simm.s32 $0x13200  }
0x133: {  	[tilespmem:s16], [sflag:$0x5] =	stream.indirect_vreg.gather [hbm4b:s6+s3], $0x80, v3, vm0, $0xb8;
	[tilespmem:$0x18200] =	vst v63  }
0x134: {  	s16 =	simm.s32 $0x13A00  }
0x135: {  	[tilespmem:s16], [sflag:$0x5] =	stream.indirect_vreg.gather [hbm4b:s7+s3], $0x80, v3, vm0, $0xb8;
	[tilespmem:$0x18200] =	vst v63  }
0x136: {  	_ =	swait.ge [sflag:s13], $0x4000  }
0x137: {  	s31 =	rddreg [dreg:$0x9];
	[sflag:s13] =	ssyncset.done $0x0  }
0x138: {  	s16 =	simm.s32 $0x14200;
	[sflag:s13] =	ssyncadd.s32 $0xFFFFC000;
	s31 =	sadd.s32 s30, s31  }
0x139: {  	[hbm4b:s31+s3] =	stream.linear.scatter [tilespmem:s16], [sflag:$0xC], $0x4000, $0x38;
	[tilespmem:$0x18200] =	vst v63  }
0x13a: {  	_ =	swait.ge [sflag:s14], $0x4000  }
0x13b: {  	[sflag:s14] =	ssyncset.done $0x0  }
0x13c: {  	[sflag:s14] =	ssyncadd.s32 $0xFFFFC000  }
0x13d: {  	v3 =	vld [tilespmem:s29+$0x0];
	_ =	sdelay $0x4  }
0x13e: {  	v63 =	vshll.u32 v3, $0x3  }
0x13f: {  	v3 =	vand.u32 $0x7, v3;
	v4 =	vand.u32 $0xFFFFFFC0, v63  }
0x140: {  	v3 =	vor.u32 v3, v4  }
0x141: {  	v4 =	vperm.xlane v3, v0;
	_ =	sdelay $0x1  }
0x142: {  	v4 =	vadd.s32 v1, v4;
	_ =	sdelay $0x4  }
0x143: {  	[tilespmem:s16], [sflag:$0x6] =	stream.indirect_vreg.gather [hbm4b:s2+s3], $0x80, v4, vm0, $0xb8;
	[tilespmem:$0x18200] =	vst v63  }
0x144: {  	v3 =	vperm.xlane v3, v2;
	s16 =	simm.s32 $0x14A00  }
0x145: {  	[tilespmem:s16], [sflag:$0x6] =	stream.indirect_vreg.gather [hbm4b:s5+s3], $0x80, v4, vm0, $0xb8;
	[tilespmem:$0x18200] =	vst v63  }
0x146: {  	v3 =	vadd.s32 v1, v3;
	s16 =	simm.s32 $0x15200  }
0x147: {  	[tilespmem:s16], [sflag:$0x6] =	stream.indirect_vreg.gather [hbm4b:s6+s3], $0x80, v4, vm0, $0xb8;
	[tilespmem:$0x18200] =	vst v63  }
0x148: {  	s16 =	simm.s32 $0x15A00  }
0x149: {  	[tilespmem:s16], [sflag:$0x6] =	stream.indirect_vreg.gather [hbm4b:s7+s3], $0x80, v4, vm0, $0xb8;
	[tilespmem:$0x18200] =	vst v63  }
0x14a: {  	s16 =	simm.s32 $0x16200  }
0x14b: {  	[tilespmem:s16], [sflag:$0x6] =	stream.indirect_vreg.gather [hbm4b:s2+s3], $0x80, v3, vm0, $0xb8;
	[tilespmem:$0x18200] =	vst v63  }
0x14c: {  	p0 =	sne.s32 s30, $0x9000;
	s16 =	simm.s32 $0x16A00  }
0x14d: {  	[tilespmem:s16], [sflag:$0x6] =	stream.indirect_vreg.gather [hbm4b:s5+s3], $0x80, v3, vm0, $0xb8;
	[tilespmem:$0x18200] =	vst v63  }
.Ltmp0:
0x14e: {  	_ = 	snop;
	(pc) =	sbr.rel @p0 .LBB2_2-.Ltmp0, $4  }
0x14f: {  	s18 =	simm.s32 $0x8200;
	s28 =	simm.s32 $0xC200;
	s24 =	simm.s32 $0x10200  }
0x150: {  	[tilespmem:s0], [sflag:$0x6] =	stream.indirect_vreg.gather [hbm4b:s6+s3], $0x80, v3, vm0, $0xb8;
	[tilespmem:$0x18200] =	vst v63  }
0x151: {  	s30 =	sadd.s32 $0x3000, s30;
	s31 =	simm.s32 $0x14200;
	s29 =	sadd.s32 $0x60, s29  }
0x152: {  	[tilespmem:s19], [sflag:$0x6] =	stream.indirect_vreg.gather [hbm4b:s7+s3], $0x80, v3, vm0, $0xb8;
	[tilespmem:$0x18200] =	vst v63  }
0x153: {  	_ =	swait.ge [sflag:s17], $0x4000  }
0x154: {  	[sflag:s17] =	ssyncset.done $0x0  }
0x155: {  	s0 =	simm.s32 $0x200;
	s29 =	rddreg [dreg:$0xb];
	[sflag:s17] =	ssyncadd.s32 $0xFFFFC000  }
0x156: {  	[hbm4b:s29+s3] =	stream.linear.scatter [tilespmem:s0], [sflag:$0x7], $0x4000, $0x38;
	[tilespmem:$0x18200] =	vst v63  }
0x157: {  	_ =	swait.ge [sflag:s22], $0x4000  }
0x158: {  	[sflag:s22] =	ssyncset.done $0x0  }
0x159: {  	[sflag:s22] =	ssyncadd.s32 $0xFFFFC000  }
0x15a: {  	v3 =	vld [tilespmem:$0x1E0];
	_ =	sdelay $0x4  }
0x15b: {  	v4 =	vshll.u32 v3, $0x3  }
0x15c: {  	v3 =	vand.u32 $0x7, v3;
	v4 =	vand.u32 $0xFFFFFFC0, v4  }
0x15d: {  	v3 =	vor.u32 v3, v4  }
0x15e: {  	v4 =	vperm.xlane v3, v0;
	_ =	sdelay $0x1  }
0x15f: {  	v4 =	vadd.s32 v1, v4;
	_ =	sdelay $0x4  }
0x160: {  	[tilespmem:s0], [sflag:$0x1] =	stream.indirect_vreg.gather [hbm4b:s2+s3], $0x80, v4, vm0, $0xb8;
	[tilespmem:$0x18200] =	vst v63  }
0x161: {  	s20 =	simm.s32 $0xA00;
	v3 =	vperm.xlane v3, v2  }
0x162: {  	[tilespmem:s20], [sflag:$0x1] =	stream.indirect_vreg.gather [hbm4b:s5+s3], $0x80, v4, vm0, $0xb8;
	[tilespmem:$0x18200] =	vst v63  }
0x163: {  	s21 =	simm.s32 $0x1200;
	v3 =	vadd.s32 v1, v3  }
0x164: {  	[tilespmem:s21], [sflag:$0x1] =	stream.indirect_vreg.gather [hbm4b:s6+s3], $0x80, v4, vm0, $0xb8;
	[tilespmem:$0x18200] =	vst v63  }
0x165: {  	s30 =	simm.s32 $0x1A00  }
0x166: {  	[tilespmem:s30], [sflag:$0x1] =	stream.indirect_vreg.gather [hbm4b:s7+s3], $0x80, v4, vm0, $0xb8;
	[tilespmem:$0x18200] =	vst v63  }
0x167: {  	s1 =	simm.s32 $0x2200  }
0x168: {  	[tilespmem:s1], [sflag:$0x1] =	stream.indirect_vreg.gather [hbm4b:s2+s3], $0x80, v3, vm0, $0xb8;
	[tilespmem:$0x18200] =	vst v63  }
0x169: {  	s8 =	simm.s32 $0x2A00  }
0x16a: {  	[tilespmem:s8], [sflag:$0x1] =	stream.indirect_vreg.gather [hbm4b:s5+s3], $0x80, v3, vm0, $0xb8;
	[tilespmem:$0x18200] =	vst v63  }
0x16b: {  	s16 =	simm.s32 $0x3200  }
0x16c: {  	[tilespmem:s16], [sflag:$0x1] =	stream.indirect_vreg.gather [hbm4b:s6+s3], $0x80, v3, vm0, $0xb8;
	[tilespmem:$0x18200] =	vst v63  }
0x16d: {  	s19 =	simm.s32 $0x3A00  }
0x16e: {  	[tilespmem:s19], [sflag:$0x1] =	stream.indirect_vreg.gather [hbm4b:s7+s3], $0x80, v3, vm0, $0xb8;
	[tilespmem:$0x18200] =	vst v63  }
0x16f: {  	_ =	swait.ge [sflag:s4], $0x4000  }
0x170: {  	[sflag:s4] =	ssyncset.done $0x0  }
0x171: {  	s1 =	simm.s32 $0x4200;
	s20 =	rddreg [dreg:$0xc];
	[sflag:s4] =	ssyncadd.s32 $0xFFFFC000  }
0x172: {  	[hbm4b:s20+s3] =	stream.linear.scatter [tilespmem:s1], [sflag:$0x8], $0x4000, $0x38;
	[tilespmem:$0x18200] =	vst v63  }
0x173: {  	_ =	swait.ge [sflag:s9], $0x4000  }
0x174: {  	[sflag:s9] =	ssyncset.done $0x0  }
0x175: {  	[sflag:s9] =	ssyncadd.s32 $0xFFFFC000  }
0x176: {  	v3 =	vld [tilespmem:$0x1F0];
	_ =	sdelay $0x4  }
0x177: {  	v63 =	vshll.u32 v3, $0x3  }
0x178: {  	v3 =	vand.u32 $0x7, v3;
	v4 =	vand.u32 $0xFFFFFFC0, v63  }
0x179: {  	v3 =	vor.u32 v3, v4  }
0x17a: {  	v4 =	vperm.xlane v3, v0;
	_ =	sdelay $0x1  }
0x17b: {  	v4 =	vadd.s32 v1, v4;
	_ =	sdelay $0x4  }
0x17c: {  	[tilespmem:s1], [sflag:$0x2] =	stream.indirect_vreg.gather [hbm4b:s2+s3], $0x80, v4, vm0, $0xb8;
	[tilespmem:$0x18200] =	vst v63  }
0x17d: {  	s21 =	simm.s32 $0x4A00;
	v3 =	vperm.xlane v3, v2  }
0x17e: {  	[tilespmem:s21], [sflag:$0x2] =	stream.indirect_vreg.gather [hbm4b:s5+s3], $0x80, v4, vm0, $0xb8;
	[tilespmem:$0x18200] =	vst v63  }
0x17f: {  	s30 =	simm.s32 $0x5200;
	v3 =	vadd.s32 v1, v3  }
0x180: {  	[tilespmem:s30], [sflag:$0x2] =	stream.indirect_vreg.gather [hbm4b:s6+s3], $0x80, v4, vm0, $0xb8;
	[tilespmem:$0x18200] =	vst v63  }
0x181: {  	s8 =	simm.s32 $0x5A00  }
0x182: {  	[tilespmem:s8], [sflag:$0x2] =	stream.indirect_vreg.gather [hbm4b:s7+s3], $0x80, v4, vm0, $0xb8;
	[tilespmem:$0x18200] =	vst v63  }
0x183: {  	s16 =	simm.s32 $0x6200  }
0x184: {  	[tilespmem:s16], [sflag:$0x2] =	stream.indirect_vreg.gather [hbm4b:s2+s3], $0x80, v3, vm0, $0xb8;
	[tilespmem:$0x18200] =	vst v63  }
0x185: {  	s19 =	simm.s32 $0x6A00  }
0x186: {  	[tilespmem:s19], [sflag:$0x2] =	stream.indirect_vreg.gather [hbm4b:s5+s3], $0x80, v3, vm0, $0xb8;
	[tilespmem:$0x18200] =	vst v63  }
0x187: {  	s20 =	simm.s32 $0x7200  }
0x188: {  	[tilespmem:s20], [sflag:$0x2] =	stream.indirect_vreg.gather [hbm4b:s6+s3], $0x80, v3, vm0, $0xb8;
	[tilespmem:$0x18200] =	vst v63  }
0x189: {  	s21 =	simm.s32 $0x7A00  }
0x18a: {  	[tilespmem:s21], [sflag:$0x2] =	stream.indirect_vreg.gather [hbm4b:s7+s3], $0x80, v3, vm0, $0xb8;
	[tilespmem:$0x18200] =	vst v63  }
0x18b: {  	_ =	swait.ge [sflag:s23], $0x4000  }
0x18c: {  	[sflag:s23] =	ssyncset.done $0x0  }
0x18d: {  	s30 =	rddreg [dreg:$0xd];
	[sflag:s23] =	ssyncadd.s32 $0xFFFFC000  }
0x18e: {  	[hbm4b:s30+s3] =	stream.linear.scatter [tilespmem:s18], [sflag:$0x9], $0x4000, $0x38;
	[tilespmem:$0x18200] =	vst v63  }
0x18f: {  	_ =	swait.ge [sflag:s11], $0x4000  }
0x190: {  	[sflag:s11] =	ssyncset.done $0x0  }
0x191: {  	s8 =	rddreg [dreg:$0xe];
	[sflag:s11] =	ssyncadd.s32 $0xFFFFC000  }
0x192: {  	[hbm4b:s8+s3] =	stream.linear.scatter [tilespmem:s28], [sflag:$0xA], $0x4000, $0x38;
	[tilespmem:$0x18200] =	vst v63  }
0x193: {  	_ =	swait.ge [sflag:s12], $0x4000  }
0x194: {  	[sflag:s12] =	ssyncset.done $0x0  }
0x195: {  	s16 =	rddreg [dreg:$0xf];
	[sflag:s12] =	ssyncadd.s32 $0xFFFFC000  }
0x196: {  	[hbm4b:s16+s3] =	stream.linear.scatter [tilespmem:s24], [sflag:$0xB], $0x4000, $0x38;
	[tilespmem:$0x18200] =	vst v63  }
0x197: {  	_ =	swait.ge [sflag:s13], $0x4000  }
0x198: {  	[sflag:s13] =	ssyncset.done $0x0  }
0x199: {  	s19 =	rddreg [dreg:$0x10];
	[sflag:s13] =	ssyncadd.s32 $0xFFFFC000  }
0x19a: {  	[hbm4b:s19+s3] =	stream.linear.scatter [tilespmem:s31], [sflag:$0xC], $0x4000, $0x38;
	[tilespmem:$0x18200] =	vst v63  }
0x19b: {  	_ =	swait.ge [sflag:s17], $0x4000  }
0x19c: {  	[sflag:s17] =	ssyncset.done $0x0  }
0x19d: {  	s20 =	rddreg [dreg:$0x11];
	[sflag:s17] =	ssyncadd.s32 $0xFFFFC000  }
0x19e: {  	[hbm4b:s20+s3] =	stream.linear.scatter [tilespmem:s0], [sflag:$0x7], $0x4000, $0x38;
	[tilespmem:$0x18200] =	vst v63  }
0x19f: {  	_ =	swait.ge [sflag:s4], $0x4000  }
0x1a0: {  	[sflag:s4] =	ssyncset.done $0x0  }
0x1a1: {  	s21 =	rddreg [dreg:$0x12];
	[sflag:s4] =	ssyncadd.s32 $0xFFFFC000  }
0x1a2: {  	[hbm4b:s21+s3] =	stream.linear.scatter [tilespmem:s1], [sflag:$0x8], $0x4000, $0x38;
	[tilespmem:$0x18200] =	vst v63  }
0x1a3: {  	_ =	swait.ge [sflag:s10], $0x4000  }
0x1a4: {  	[sflag:s10] =	ssyncset.done $0x0  }
0x1a5: {  	[sflag:s10] =	ssyncadd.s32 $0xFFFFC000  }
0x1a6: {  	_ =	swait.ge [sflag:s25], $0x4000  }
0x1a7: {  	[sflag:s25] =	ssyncset.done $0x0  }
0x1a8: {  	[sflag:s25] =	ssyncadd.s32 $0xFFFFC000  }
0x1a9: {  	_ =	swait.ge [sflag:s26], $0x4000  }
0x1aa: {  	[sflag:s26] =	ssyncset.done $0x0  }
0x1ab: {  	[sflag:s26] =	ssyncadd.s32 $0xFFFFC000  }
0x1ac: {  	_ =	swait.ge [sflag:s14], $0x4000  }
0x1ad: {  	[sflag:s14] =	ssyncset.done $0x0  }
0x1ae: {  	[sflag:s14] =	ssyncadd.s32 $0xFFFFC000  }
0x1af: {  	_ =	swait.ge [sflag:s22], $0x4000  }
0x1b0: {  	[sflag:s22] =	ssyncset.done $0x0  }
0x1b1: {  	[sflag:s22] =	ssyncadd.s32 $0xFFFFC000  }
0x1b2: {  	_ =	swait.ge [sflag:s9], $0x4000  }
0x1b3: {  	s16 =	rddreg [dreg:$0x14]  }
0x1b4: {  	s30 =	rddreg [dreg:$0x13];
	s16 =	sadd.s32 $0x1, s16  }
0x1b5: {  	p0 =	sne.s32 s16, s30  }
.Ltmp1:
0x1b6: {  	_ = 	snop;
	(pc) =	sbr.rel @p0 .LBB2_1-.Ltmp1, $4  }
0x1b7: {  	_ = 	snop  }
0x1b8: {  	s8 =	simm.s32 $0xB200;
	s19 =	simm.s32 $0x8A00  }
0x1b9: {  	s0 =	simm.s32 $0x9200;
	s20 =	simm.s32 $0x9A00;
	[sflag:s9] =	ssyncset.done $0x0  }
0x1ba: {  	s1 =	simm.s32 $0xA200;
	s21 =	simm.s32 $0xAA00;
	[sflag:s9] =	ssyncadd.s32 $0xFFFFC000  }
0x1bb: {  	_ =	sfence.sel $0x180000  }
0x1bc: {  	[bflag:$0x0] =	sbarrier.arrive $0xFFFF  }
0x1bd: {  	_ =	strace $0x90000047  }
0x1be: {  	s0 =	stileid.u32;
	[bflag:$0x2] =	sbarrier.arrive $0xFFFF  }
0x1bf: {  	p0 =	sne.s32 s0, $0x0;
	s0 =	rddreg [dreg:$0x3]  }
0x1c0: {  	s0 =	sadd.s32 @!p0 $0x100000, s0  }
0x1c1: {  	[sflag:s0] =	ssyncadd.tile.s32 @!p0 $0x1;
	_ =	shalt  }
.Lfunc_end2:
_tile_overlayer_lowered:
.L_overlay_start_2:
0x1c2: {  	(tag) =	ssettag $0x2  }
0x1c3: {  	s0 =	rddreg [dreg:$0x0];
	s2 =	stileid.u32  }
0x1c4: {  	s1 =	rddreg [dreg:$0x1];
	p0 =	sne.s32 s2, $0x0  }
0x1c5: {  	s3 =	rddreg [dreg:$0x2];
	[bflag:$0x3] =	sbarrier.arrive $0xFFFF;
	s2 =	simm.s32 @!p0 $0x1C0D  }
0x1c6: {  	[timem:s3], [sflag:s2] =	dma.local @!p0 [hbm:s0], s1  }
0x1c7: {  	s0 =	simm.s32 @!p0 $0xD  }
0x1c8: {  	_ =	swait.ge @!p0 [sflag:s0], s1  }
0x1c9: {  	s1 =	ssub.s32 @!p0 $0x0, s1;
	[sflag:s0] =	ssyncset.done @!p0 $0x0  }
0x1ca: {  	[sflag:s0] =	ssyncadd.s32 @!p0 s1  }
0x1cb: {  	[bflag:$0x3] =	sbarrier.arrive $0xFFFF  }
0x1cc: {  	_ =	shalt  }

</sc_bundles>
